<compile_context>
chip_gen: v7x
topology: tpu7x:2x2x1
jax: 0.10.2.dev20260603
libtpu: 0.0.44.dev20260713+nightly
codegen_flags: <defaults>
</compile_context>

<pallas_src>
import functools

import jax
import jax.numpy as jnp
from jax import lax
from jax.experimental import pallas as pl
from jax.experimental.pallas import tpu as pltpu
from jax.experimental.pallas import tpu_sc as plsc

B = 16384
K = 10
KP = 16
L = 16
NC, NS = 2, 16
NW = NC * NS
RPW = B // NW
GPW = RPW // L
CH = 128
HALF = (KP // 2) * B

_LN2 = 0.6931471805599453


def _ln(s):
    bits = lax.bitcast_convert_type(s, jnp.int32)
    e = lax.shift_right_logical(bits, 23) - 127
    m = lax.bitcast_convert_type(
        jnp.bitwise_or(jnp.bitwise_and(bits, 0x007FFFFF), 0x3F800000),
        jnp.float32)
    t = (m - 1.0) / (m + 1.0)
    t2 = t * t
    p = 1.0 / 9.0
    p = p * t2 + 1.0 / 7.0
    p = p * t2 + 1.0 / 5.0
    p = p * t2 + 1.0 / 3.0
    p = p * t2 + 1.0
    return 2.0 * t * p + e.astype(jnp.float32) * _LN2


def _body(x_hbm, c_hbm, y_hbm, lg_hbm, x_v, c_v, y_v, lg_v):
    wid = lax.axis_index("s") * NC + lax.axis_index("c")
    pltpu.sync_copy(x_hbm.at[pl.ds(wid * (RPW * 2), RPW * 2)], x_v)
    pltpu.sync_copy(c_hbm.at[pl.ds(0, L)], c_v.at[pl.ds(0, L)])
    pltpu.sync_copy(c_hbm.at[pl.ds(CH, L)], c_v.at[pl.ds(L, L)])

    v0 = c_v[pl.ds(0, L)]
    v1 = c_v[pl.ds(L, L)]
    ca = [v0[j] + v0[j] for j in range(K)]
    cb = [v1[j] + v1[j] for j in range(K)]
    cn = [-(v0[j] * v0[j] + v1[j] * v1[j]) for j in range(K)]

    @plsc.parallel_loop(0, GPW, step=1, unroll=2)
    def group(g):
        chunk = lax.shift_right_logical(g, 3)
        sub = jnp.bitwise_and(g, 7)
        xoff = chunk * (2 * CH) + sub * L
        vx0 = x_v[pl.ds(xoff, L)]
        vx1 = x_v[pl.ds(xoff + CH, L)]
        r = vx0 * vx0 + vx1 * vx1
        ts = [vx0 * ca[j] + vx1 * cb[j] + cn[j] for j in range(K)]
        m = ts[0]
        for j in range(1, K):
            m = jnp.maximum(m, ts[j])
        s = jnp.exp(ts[0] - m)
        for j in range(1, K):
            s = s + jnp.exp(ts[j] - m)
        tot = m + _ln(s)
        lo = chunk * (8 * CH) + sub * L
        for j in range(K):
            off = lo + (j % 8) * CH + (0 if j < 8 else RPW * 8)
            lg_v[pl.ds(off, L)] = ts[j] - r
            y_v[pl.ds(off, L)] = ts[j] - tot

    half = RPW * 8
    for hbm, v in ((y_hbm, y_v), (lg_hbm, lg_v)):
        pltpu.sync_copy(v.at[pl.ds(0, half)], hbm.at[pl.ds(wid * half, half)])
        pltpu.sync_copy(v.at[pl.ds(half, half)],
                        hbm.at[pl.ds(HALF + wid * half, half)])


@functools.cache
def _sc_call():
    return pl.kernel(
        _body,
        out_type=(jax.ShapeDtypeStruct((KP * B,), jnp.float32),
                  jax.ShapeDtypeStruct((KP * B,), jnp.float32)),
        mesh=plsc.VectorSubcoreMesh(core_axis_name="c", subcore_axis_name="s",
                                    num_cores=NC, num_subcores=NS),
        scratch_types=[
            pltpu.VMEM((RPW * 2,), jnp.float32),
            pltpu.VMEM((2 * L,), jnp.float32),
            pltpu.VMEM((RPW * KP,), jnp.float32),
            pltpu.VMEM((RPW * KP,), jnp.float32),
        ],
        compiler_params=pltpu.CompilerParams(needs_layout_passes=False,
                                             use_tc_tiling_on_sc=False),
    )


def _unphys(o):
    p = o.reshape(2, B // CH, 8, CH)
    return p.transpose(1, 3, 0, 2).reshape(B, KP)[:, :K]


@jax.jit
def kernel(x, embedding_weight):
    xb = x.reshape(B // CH, CH, 2).transpose(0, 2, 1).reshape(-1)
    wp = jnp.pad(embedding_weight.T, ((0, 0), (0, CH - K))).reshape(-1)
    yb, lgb = _sc_call()(xb, wp)
    return _unphys(yb), _unphys(lgb)

# --- scband reference (transcript-rebuilt; emitter-appended) ---
"""Pipeline reference for scband-proto-net-43989055045764 (READ-ONLY COPY).

The authoritative reference and input builder live on the scoring server;
editing this copy changes nothing except your own understanding.
"""

import jax, jax.numpy as jnp
import numpy as np


def setup_inputs(seed: int = 0) -> dict:
    key = jax.random.key(seed)
    k1, k2 = jax.random.split(key)
    x = jax.random.normal(k1, (16384, 2), dtype=jnp.float32)
    embedding_weight = jax.random.normal(k2, (10, 2), dtype=jnp.float32)
    return {"x": x, "embedding_weight": embedding_weight}


def reference(x, embedding_weight):
    # x: [B, 2] -> [B, 1, 2]; centers: [10, 2] -> [1, 10, 2]
    xe = x[:, None, :]
    centers = embedding_weight[None, :, :]
    logits = -1.0 * jnp.sum(jnp.power(xe - centers, 2), axis=-1)  # [B, 10]
    y = jax.nn.log_softmax(logits, axis=1)
    return (y, logits)

if __name__ == "__main__":
    import jax
    _d = setup_inputs()
    print(jax.jit(kernel)(*tuple(_d.values())))

</pallas_src>

<mosaic_0001>
#map = affine_map<(d0, d1) -> (0)>
module attributes {stable_mosaic.version = 14 : i64} {
  func.func @_body(%arg0: i32, %arg1: i32, %arg2: memref<32768xf32, #tpu.memory_space<hbm>>, %arg3: memref<256xf32, #tpu.memory_space<hbm>>, %arg4: memref<262144xf32, #tpu.memory_space<hbm>>, %arg5: memref<262144xf32, #tpu.memory_space<hbm>>, %arg6: memref<1024xf32, #tpu.memory_space<vmem>>, %arg7: memref<32xf32, #tpu.memory_space<vmem>>, %arg8: memref<8192xf32, #tpu.memory_space<vmem>>, %arg9: memref<8192xf32, #tpu.memory_space<vmem>>) attributes {dimension_semantics = [#tpu.dimension_semantics<core_parallel>, #tpu.dimension_semantics<subcore_parallel>], iteration_bounds = array<i64: 2, 16>, scalar_prefetch = 0 : i64, scratch_operands = 4 : i64, tpu.core_type = #tpu.core_type<sc_vector_subcore>, window_params = [{transform_indices = #map}, {transform_indices = #map}, {transform_indices = #map}, {transform_indices = #map}]} {
    %mul3A = arith.constant 2 : i32
    %mul3A_0 = arith.muli %arg1, %mul3A : i32
    %add3A = arith.addi %mul3A_0, %arg0 : i32
    %mul3A_1 = arith.constant 1024 : i32
    %mul3A_2 = arith.muli %add3A, %mul3A_1 : i32
    "tpu.region"() ({
      %run_scoped3A = tpu.sem_alloc : memref<!tpu.dma_semaphore, #tpu.memory_space<semaphore_mem>>
      %dma_start3A = tpu.memref_slice %arg2[%mul3A_2] : memref<32768xf32, #tpu.memory_space<hbm>> -> memref<1024xf32, #tpu.memory_space<hbm>>
      %dma_start3A_247 = tpu.memref_slice %arg2[%mul3A_2] : memref<32768xf32, #tpu.memory_space<hbm>> -> memref<1024xf32, #tpu.memory_space<hbm>>
      tpu.enqueue_dma source(%dma_start3A_247 : memref<1024xf32, #tpu.memory_space<hbm>>) target(%arg6 : memref<1024xf32, #tpu.memory_space<vmem>>) target_semaphore(%run_scoped3A : memref<!tpu.dma_semaphore, #tpu.memory_space<semaphore_mem>>)
      %dma_wait3A = tpu.memref_slice %arg2[%mul3A_2] : memref<32768xf32, #tpu.memory_space<hbm>> -> memref<1024xf32, #tpu.memory_space<hbm>>
      %dma_wait3A_248 = tpu.memref_slice %arg2[%mul3A_2] : memref<32768xf32, #tpu.memory_space<hbm>> -> memref<1024xf32, #tpu.memory_space<hbm>>
      tpu.wait_dma2 semaphore(%run_scoped3A : memref<!tpu.dma_semaphore, #tpu.memory_space<semaphore_mem>>) src(%dma_wait3A_248 : memref<1024xf32, #tpu.memory_space<hbm>>) dst(%arg6 : memref<1024xf32, #tpu.memory_space<vmem>>)
      tpu.yield
    }) : () -> ()
    "tpu.region"() ({
      %run_scoped3A = tpu.sem_alloc : memref<!tpu.dma_semaphore, #tpu.memory_space<semaphore_mem>>
      %dma_start3A = arith.constant 0 : i32
      %dma_start3A_247 = tpu.memref_slice %arg7[%dma_start3A] : memref<32xf32, #tpu.memory_space<vmem>> -> memref<16xf32, #tpu.memory_space<vmem>>
      %dma_start3A_248 = arith.constant 0 : i32
      %dma_start3A_249 = tpu.memref_slice %arg3[%dma_start3A_248] : memref<256xf32, #tpu.memory_space<hbm>> -> memref<16xf32, #tpu.memory_space<hbm>>
      %dma_start3A_250 = arith.constant 0 : i32
      %dma_start3A_251 = tpu.memref_slice %arg7[%dma_start3A_250] : memref<32xf32, #tpu.memory_space<vmem>> -> memref<16xf32, #tpu.memory_space<vmem>>
      %dma_start3A_252 = arith.constant 0 : i32
      %dma_start3A_253 = tpu.memref_slice %arg3[%dma_start3A_252] : memref<256xf32, #tpu.memory_space<hbm>> -> memref<16xf32, #tpu.memory_space<hbm>>
      tpu.enqueue_dma source(%dma_start3A_253 : memref<16xf32, #tpu.memory_space<hbm>>) target(%dma_start3A_251 : memref<16xf32, #tpu.memory_space<vmem>>) target_semaphore(%run_scoped3A : memref<!tpu.dma_semaphore, #tpu.memory_space<semaphore_mem>>)
      %dma_wait3A = arith.constant 0 : i32
      %dma_wait3A_254 = tpu.memref_slice %arg7[%dma_wait3A] : memref<32xf32, #tpu.memory_space<vmem>> -> memref<16xf32, #tpu.memory_space<vmem>>
      %dma_wait3A_255 = arith.constant 0 : i32
      %dma_wait3A_256 = tpu.memref_slice %arg3[%dma_wait3A_255] : memref<256xf32, #tpu.memory_space<hbm>> -> memref<16xf32, #tpu.memory_space<hbm>>
      %dma_wait3A_257 = arith.constant 0 : i32
      %dma_wait3A_258 = tpu.memref_slice %arg7[%dma_wait3A_257] : memref<32xf32, #tpu.memory_space<vmem>> -> memref<16xf32, #tpu.memory_space<vmem>>
      %dma_wait3A_259 = arith.constant 0 : i32
      %dma_wait3A_260 = tpu.memref_slice %arg3[%dma_wait3A_259] : memref<256xf32, #tpu.memory_space<hbm>> -> memref<16xf32, #tpu.memory_space<hbm>>
      tpu.wait_dma2 semaphore(%run_scoped3A : memref<!tpu.dma_semaphore, #tpu.memory_space<semaphore_mem>>) src(%dma_wait3A_260 : memref<16xf32, #tpu.memory_space<hbm>>) dst(%dma_wait3A_258 : memref<16xf32, #tpu.memory_space<vmem>>)
      tpu.yield
    }) : () -> ()
    "tpu.region"() ({
      %run_scoped3A = tpu.sem_alloc : memref<!tpu.dma_semaphore, #tpu.memory_space<semaphore_mem>>
      %dma_start3A = arith.constant 16 : i32
      %dma_start3A_247 = tpu.memref_slice %arg7[%dma_start3A] : memref<32xf32, #tpu.memory_space<vmem>> -> memref<16xf32, #tpu.memory_space<vmem>>
      %dma_start3A_248 = arith.constant 128 : i32
      %dma_start3A_249 = tpu.memref_slice %arg3[%dma_start3A_248] : memref<256xf32, #tpu.memory_space<hbm>> -> memref<16xf32, #tpu.memory_space<hbm>>
      %dma_start3A_250 = arith.constant 16 : i32
      %dma_start3A_251 = tpu.memref_slice %arg7[%dma_start3A_250] : memref<32xf32, #tpu.memory_space<vmem>> -> memref<16xf32, #tpu.memory_space<vmem>>
      %dma_start3A_252 = arith.constant 128 : i32
      %dma_start3A_253 = tpu.memref_slice %arg3[%dma_start3A_252] : memref<256xf32, #tpu.memory_space<hbm>> -> memref<16xf32, #tpu.memory_space<hbm>>
      tpu.enqueue_dma source(%dma_start3A_253 : memref<16xf32, #tpu.memory_space<hbm>>) target(%dma_start3A_251 : memref<16xf32, #tpu.memory_space<vmem>>) target_semaphore(%run_scoped3A : memref<!tpu.dma_semaphore, #tpu.memory_space<semaphore_mem>>)
      %dma_wait3A = arith.constant 16 : i32
      %dma_wait3A_254 = tpu.memref_slice %arg7[%dma_wait3A] : memref<32xf32, #tpu.memory_space<vmem>> -> memref<16xf32, #tpu.memory_space<vmem>>
      %dma_wait3A_255 = arith.constant 128 : i32
      %dma_wait3A_256 = tpu.memref_slice %arg3[%dma_wait3A_255] : memref<256xf32, #tpu.memory_space<hbm>> -> memref<16xf32, #tpu.memory_space<hbm>>
      %dma_wait3A_257 = arith.constant 16 : i32
      %dma_wait3A_258 = tpu.memref_slice %arg7[%dma_wait3A_257] : memref<32xf32, #tpu.memory_space<vmem>> -> memref<16xf32, #tpu.memory_space<vmem>>
      %dma_wait3A_259 = arith.constant 128 : i32
      %dma_wait3A_260 = tpu.memref_slice %arg3[%dma_wait3A_259] : memref<256xf32, #tpu.memory_space<hbm>> -> memref<16xf32, #tpu.memory_space<hbm>>
      tpu.wait_dma2 semaphore(%run_scoped3A : memref<!tpu.dma_semaphore, #tpu.memory_space<semaphore_mem>>) src(%dma_wait3A_260 : memref<16xf32, #tpu.memory_space<hbm>>) dst(%dma_wait3A_258 : memref<16xf32, #tpu.memory_space<vmem>>)
      tpu.yield
    }) : () -> ()
    %get3A = arith.constant 0 : index
    %get3A_3 = tpu.vector_load %arg7[%get3A] {strides = array<i32>} : memref<32xf32, #tpu.memory_space<vmem>>, vector<16xf32>,
    %get3A_4 = arith.constant 16 : index
    %get3A_5 = tpu.vector_load %arg7[%get3A_4] {strides = array<i32>} : memref<32xf32, #tpu.memory_space<vmem>>, vector<16xf32>,
    %slice3A = vector.extract_strided_slice %get3A_3 {offsets = [0], sizes = [1], strides = [1]} : vector<16xf32> to vector<1xf32>
    %squeeze3A = vector.extract %slice3A[0] : f32 from vector<1xf32>
    %slice3A_6 = vector.extract_strided_slice %get3A_3 {offsets = [0], sizes = [1], strides = [1]} : vector<16xf32> to vector<1xf32>
    %squeeze3A_7 = vector.extract %slice3A_6[0] : f32 from vector<1xf32>
    %add3A_8 = arith.addf %squeeze3A, %squeeze3A_7 : f32
    %slice3A_9 = vector.extract_strided_slice %get3A_3 {offsets = [1], sizes = [1], strides = [1]} : vector<16xf32> to vector<1xf32>
    %squeeze3A_10 = vector.extract %slice3A_9[0] : f32 from vector<1xf32>
    %slice3A_11 = vector.extract_strided_slice %get3A_3 {offsets = [1], sizes = [1], strides = [1]} : vector<16xf32> to vector<1xf32>
    %squeeze3A_12 = vector.extract %slice3A_11[0] : f32 from vector<1xf32>
    %add3A_13 = arith.addf %squeeze3A_10, %squeeze3A_12 : f32
    %slice3A_14 = vector.extract_strided_slice %get3A_3 {offsets = [2], sizes = [1], strides = [1]} : vector<16xf32> to vector<1xf32>
    %squeeze3A_15 = vector.extract %slice3A_14[0] : f32 from vector<1xf32>
    %slice3A_16 = vector.extract_strided_slice %get3A_3 {offsets = [2], sizes = [1], strides = [1]} : vector<16xf32> to vector<1xf32>
    %squeeze3A_17 = vector.extract %slice3A_16[0] : f32 from vector<1xf32>
    %add3A_18 = arith.addf %squeeze3A_15, %squeeze3A_17 : f32
    %slice3A_19 = vector.extract_strided_slice %get3A_3 {offsets = [3], sizes = [1], strides = [1]} : vector<16xf32> to vector<1xf32>
    %squeeze3A_20 = vector.extract %slice3A_19[0] : f32 from vector<1xf32>
    %slice3A_21 = vector.extract_strided_slice %get3A_3 {offsets = [3], sizes = [1], strides = [1]} : vector<16xf32> to vector<1xf32>
    %squeeze3A_22 = vector.extract %slice3A_21[0] : f32 from vector<1xf32>
    %add3A_23 = arith.addf %squeeze3A_20, %squeeze3A_22 : f32
    %slice3A_24 = vector.extract_strided_slice %get3A_3 {offsets = [4], sizes = [1], strides = [1]} : vector<16xf32> to vector<1xf32>
    %squeeze3A_25 = vector.extract %slice3A_24[0] : f32 from vector<1xf32>
    %slice3A_26 = vector.extract_strided_slice %get3A_3 {offsets = [4], sizes = [1], strides = [1]} : vector<16xf32> to vector<1xf32>
    %squeeze3A_27 = vector.extract %slice3A_26[0] : f32 from vector<1xf32>
    %add3A_28 = arith.addf %squeeze3A_25, %squeeze3A_27 : f32
    %slice3A_29 = vector.extract_strided_slice %get3A_3 {offsets = [5], sizes = [1], strides = [1]} : vector<16xf32> to vector<1xf32>
    %squeeze3A_30 = vector.extract %slice3A_29[0] : f32 from vector<1xf32>
    %slice3A_31 = vector.extract_strided_slice %get3A_3 {offsets = [5], sizes = [1], strides = [1]} : vector<16xf32> to vector<1xf32>
    %squeeze3A_32 = vector.extract %slice3A_31[0] : f32 from vector<1xf32>
    %add3A_33 = arith.addf %squeeze3A_30, %squeeze3A_32 : f32
    %slice3A_34 = vector.extract_strided_slice %get3A_3 {offsets = [6], sizes = [1], strides = [1]} : vector<16xf32> to vector<1xf32>
    %squeeze3A_35 = vector.extract %slice3A_34[0] : f32 from vector<1xf32>
    %slice3A_36 = vector.extract_strided_slice %get3A_3 {offsets = [6], sizes = [1], strides = [1]} : vector<16xf32> to vector<1xf32>
    %squeeze3A_37 = vector.extract %slice3A_36[0] : f32 from vector<1xf32>
    %add3A_38 = arith.addf %squeeze3A_35, %squeeze3A_37 : f32
    %slice3A_39 = vector.extract_strided_slice %get3A_3 {offsets = [7], sizes = [1], strides = [1]} : vector<16xf32> to vector<1xf32>
    %squeeze3A_40 = vector.extract %slice3A_39[0] : f32 from vector<1xf32>
    %slice3A_41 = vector.extract_strided_slice %get3A_3 {offsets = [7], sizes = [1], strides = [1]} : vector<16xf32> to vector<1xf32>
    %squeeze3A_42 = vector.extract %slice3A_41[0] : f32 from vector<1xf32>
    %add3A_43 = arith.addf %squeeze3A_40, %squeeze3A_42 : f32
    %slice3A_44 = vector.extract_strided_slice %get3A_3 {offsets = [8], sizes = [1], strides = [1]} : vector<16xf32> to vector<1xf32>
    %squeeze3A_45 = vector.extract %slice3A_44[0] : f32 from vector<1xf32>
    %slice3A_46 = vector.extract_strided_slice %get3A_3 {offsets = [8], sizes = [1], strides = [1]} : vector<16xf32> to vector<1xf32>
    %squeeze3A_47 = vector.extract %slice3A_46[0] : f32 from vector<1xf32>
    %add3A_48 = arith.addf %squeeze3A_45, %squeeze3A_47 : f32
    %slice3A_49 = vector.extract_strided_slice %get3A_3 {offsets = [9], sizes = [1], strides = [1]} : vector<16xf32> to vector<1xf32>
    %squeeze3A_50 = vector.extract %slice3A_49[0] : f32 from vector<1xf32>
    %slice3A_51 = vector.extract_strided_slice %get3A_3 {offsets = [9], sizes = [1], strides = [1]} : vector<16xf32> to vector<1xf32>
    %squeeze3A_52 = vector.extract %slice3A_51[0] : f32 from vector<1xf32>
    %add3A_53 = arith.addf %squeeze3A_50, %squeeze3A_52 : f32
    %slice3A_54 = vector.extract_strided_slice %get3A_5 {offsets = [0], sizes = [1], strides = [1]} : vector<16xf32> to vector<1xf32>
    %squeeze3A_55 = vector.extract %slice3A_54[0] : f32 from vector<1xf32>
    %slice3A_56 = vector.extract_strided_slice %get3A_5 {offsets = [0], sizes = [1], strides = [1]} : vector<16xf32> to vector<1xf32>
    %squeeze3A_57 = vector.extract %slice3A_56[0] : f32 from vector<1xf32>
    %add3A_58 = arith.addf %squeeze3A_55, %squeeze3A_57 : f32
    %slice3A_59 = vector.extract_strided_slice %get3A_5 {offsets = [1], sizes = [1], strides = [1]} : vector<16xf32> to vector<1xf32>
    %squeeze3A_60 = vector.extract %slice3A_59[0] : f32 from vector<1xf32>
    %slice3A_61 = vector.extract_strided_slice %get3A_5 {offsets = [1], sizes = [1], strides = [1]} : vector<16xf32> to vector<1xf32>
    %squeeze3A_62 = vector.extract %slice3A_61[0] : f32 from vector<1xf32>
    %add3A_63 = arith.addf %squeeze3A_60, %squeeze3A_62 : f32
    %slice3A_64 = vector.extract_strided_slice %get3A_5 {offsets = [2], sizes = [1], strides = [1]} : vector<16xf32> to vector<1xf32>
    %squeeze3A_65 = vector.extract %slice3A_64[0] : f32 from vector<1xf32>
    %slice3A_66 = vector.extract_strided_slice %get3A_5 {offsets = [2], sizes = [1], strides = [1]} : vector<16xf32> to vector<1xf32>
    %squeeze3A_67 = vector.extract %slice3A_66[0] : f32 from vector<1xf32>
    %add3A_68 = arith.addf %squeeze3A_65, %squeeze3A_67 : f32
    %slice3A_69 = vector.extract_strided_slice %get3A_5 {offsets = [3], sizes = [1], strides = [1]} : vector<16xf32> to vector<1xf32>
    %squeeze3A_70 = vector.extract %slice3A_69[0] : f32 from vector<1xf32>
    %slice3A_71 = vector.extract_strided_slice %get3A_5 {offsets = [3], sizes = [1], strides = [1]} : vector<16xf32> to vector<1xf32>
    %squeeze3A_72 = vector.extract %slice3A_71[0] : f32 from vector<1xf32>
    %add3A_73 = arith.addf %squeeze3A_70, %squeeze3A_72 : f32
    %slice3A_74 = vector.extract_strided_slice %get3A_5 {offsets = [4], sizes = [1], strides = [1]} : vector<16xf32> to vector<1xf32>
    %squeeze3A_75 = vector.extract %slice3A_74[0] : f32 from vector<1xf32>
    %slice3A_76 = vector.extract_strided_slice %get3A_5 {offsets = [4], sizes = [1], strides = [1]} : vector<16xf32> to vector<1xf32>
    %squeeze3A_77 = vector.extract %slice3A_76[0] : f32 from vector<1xf32>
    %add3A_78 = arith.addf %squeeze3A_75, %squeeze3A_77 : f32
    %slice3A_79 = vector.extract_strided_slice %get3A_5 {offsets = [5], sizes = [1], strides = [1]} : vector<16xf32> to vector<1xf32>
    %squeeze3A_80 = vector.extract %slice3A_79[0] : f32 from vector<1xf32>
    %slice3A_81 = vector.extract_strided_slice %get3A_5 {offsets = [5], sizes = [1], strides = [1]} : vector<16xf32> to vector<1xf32>
    %squeeze3A_82 = vector.extract %slice3A_81[0] : f32 from vector<1xf32>
    %add3A_83 = arith.addf %squeeze3A_80, %squeeze3A_82 : f32
    %slice3A_84 = vector.extract_strided_slice %get3A_5 {offsets = [6], sizes = [1], strides = [1]} : vector<16xf32> to vector<1xf32>
    %squeeze3A_85 = vector.extract %slice3A_84[0] : f32 from vector<1xf32>
    %slice3A_86 = vector.extract_strided_slice %get3A_5 {offsets = [6], sizes = [1], strides = [1]} : vector<16xf32> to vector<1xf32>
    %squeeze3A_87 = vector.extract %slice3A_86[0] : f32 from vector<1xf32>
    %add3A_88 = arith.addf %squeeze3A_85, %squeeze3A_87 : f32
    %slice3A_89 = vector.extract_strided_slice %get3A_5 {offsets = [7], sizes = [1], strides = [1]} : vector<16xf32> to vector<1xf32>
    %squeeze3A_90 = vector.extract %slice3A_89[0] : f32 from vector<1xf32>
    %slice3A_91 = vector.extract_strided_slice %get3A_5 {offsets = [7], sizes = [1], strides = [1]} : vector<16xf32> to vector<1xf32>
    %squeeze3A_92 = vector.extract %slice3A_91[0] : f32 from vector<1xf32>
    %add3A_93 = arith.addf %squeeze3A_90, %squeeze3A_92 : f32
    %slice3A_94 = vector.extract_strided_slice %get3A_5 {offsets = [8], sizes = [1], strides = [1]} : vector<16xf32> to vector<1xf32>
    %squeeze3A_95 = vector.extract %slice3A_94[0] : f32 from vector<1xf32>
    %slice3A_96 = vector.extract_strided_slice %get3A_5 {offsets = [8], sizes = [1], strides = [1]} : vector<16xf32> to vector<1xf32>
    %squeeze3A_97 = vector.extract %slice3A_96[0] : f32 from vector<1xf32>
    %add3A_98 = arith.addf %squeeze3A_95, %squeeze3A_97 : f32
    %slice3A_99 = vector.extract_strided_slice %get3A_5 {offsets = [9], sizes = [1], strides = [1]} : vector<16xf32> to vector<1xf32>
    %squeeze3A_100 = vector.extract %slice3A_99[0] : f32 from vector<1xf32>
    %slice3A_101 = vector.extract_strided_slice %get3A_5 {offsets = [9], sizes = [1], strides = [1]} : vector<16xf32> to vector<1xf32>
    %squeeze3A_102 = vector.extract %slice3A_101[0] : f32 from vector<1xf32>
    %add3A_103 = arith.addf %squeeze3A_100, %squeeze3A_102 : f32
    %slice3A_104 = vector.extract_strided_slice %get3A_3 {offsets = [0], sizes = [1], strides = [1]} : vector<16xf32> to vector<1xf32>
    %squeeze3A_105 = vector.extract %slice3A_104[0] : f32 from vector<1xf32>
    %slice3A_106 = vector.extract_strided_slice %get3A_3 {offsets = [0], sizes = [1], strides = [1]} : vector<16xf32> to vector<1xf32>
    %squeeze3A_107 = vector.extract %slice3A_106[0] : f32 from vector<1xf32>
    %mul3A_108 = arith.mulf %squeeze3A_105, %squeeze3A_107 : f32
    %slice3A_109 = vector.extract_strided_slice %get3A_5 {offsets = [0], sizes = [1], strides = [1]} : vector<16xf32> to vector<1xf32>
    %squeeze3A_110 = vector.extract %slice3A_109[0] : f32 from vector<1xf32>
    %slice3A_111 = vector.extract_strided_slice %get3A_5 {offsets = [0], sizes = [1], strides = [1]} : vector<16xf32> to vector<1xf32>
    %squeeze3A_112 = vector.extract %slice3A_111[0] : f32 from vector<1xf32>
    %mul3A_113 = arith.mulf %squeeze3A_110, %squeeze3A_112 : f32
    %add3A_114 = arith.addf %mul3A_108, %mul3A_113 : f32
    %neg3A = arith.constant 0.000000e+00 : f32
    %neg3A_115 = arith.subf %neg3A, %add3A_114 : f32
    %slice3A_116 = vector.extract_strided_slice %get3A_3 {offsets = [1], sizes = [1], strides = [1]} : vector<16xf32> to vector<1xf32>
    %squeeze3A_117 = vector.extract %slice3A_116[0] : f32 from vector<1xf32>
    %slice3A_118 = vector.extract_strided_slice %get3A_3 {offsets = [1], sizes = [1], strides = [1]} : vector<16xf32> to vector<1xf32>
    %squeeze3A_119 = vector.extract %slice3A_118[0] : f32 from vector<1xf32>
    %mul3A_120 = arith.mulf %squeeze3A_117, %squeeze3A_119 : f32
    %slice3A_121 = vector.extract_strided_slice %get3A_5 {offsets = [1], sizes = [1], strides = [1]} : vector<16xf32> to vector<1xf32>
    %squeeze3A_122 = vector.extract %slice3A_121[0] : f32 from vector<1xf32>
    %slice3A_123 = vector.extract_strided_slice %get3A_5 {offsets = [1], sizes = [1], strides = [1]} : vector<16xf32> to vector<1xf32>
    %squeeze3A_124 = vector.extract %slice3A_123[0] : f32 from vector<1xf32>
    %mul3A_125 = arith.mulf %squeeze3A_122, %squeeze3A_124 : f32
    %add3A_126 = arith.addf %mul3A_120, %mul3A_125 : f32
    %neg3A_127 = arith.constant 0.000000e+00 : f32
    %neg3A_128 = arith.subf %neg3A_127, %add3A_126 : f32
    %slice3A_129 = vector.extract_strided_slice %get3A_3 {offsets = [2], sizes = [1], strides = [1]} : vector<16xf32> to vector<1xf32>
    %squeeze3A_130 = vector.extract %slice3A_129[0] : f32 from vector<1xf32>
    %slice3A_131 = vector.extract_strided_slice %get3A_3 {offsets = [2], sizes = [1], strides = [1]} : vector<16xf32> to vector<1xf32>
    %squeeze3A_132 = vector.extract %slice3A_131[0] : f32 from vector<1xf32>
    %mul3A_133 = arith.mulf %squeeze3A_130, %squeeze3A_132 : f32
    %slice3A_134 = vector.extract_strided_slice %get3A_5 {offsets = [2], sizes = [1], strides = [1]} : vector<16xf32> to vector<1xf32>
    %squeeze3A_135 = vector.extract %slice3A_134[0] : f32 from vector<1xf32>
    %slice3A_136 = vector.extract_strided_slice %get3A_5 {offsets = [2], sizes = [1], strides = [1]} : vector<16xf32> to vector<1xf32>
    %squeeze3A_137 = vector.extract %slice3A_136[0] : f32 from vector<1xf32>
    %mul3A_138 = arith.mulf %squeeze3A_135, %squeeze3A_137 : f32
    %add3A_139 = arith.addf %mul3A_133, %mul3A_138 : f32
    %neg3A_140 = arith.constant 0.000000e+00 : f32
    %neg3A_141 = arith.subf %neg3A_140, %add3A_139 : f32
    %slice3A_142 = vector.extract_strided_slice %get3A_3 {offsets = [3], sizes = [1], strides = [1]} : vector<16xf32> to vector<1xf32>
    %squeeze3A_143 = vector.extract %slice3A_142[0] : f32 from vector<1xf32>
    %slice3A_144 = vector.extract_strided_slice %get3A_3 {offsets = [3], sizes = [1], strides = [1]} : vector<16xf32> to vector<1xf32>
    %squeeze3A_145 = vector.extract %slice3A_144[0] : f32 from vector<1xf32>
    %mul3A_146 = arith.mulf %squeeze3A_143, %squeeze3A_145 : f32
    %slice3A_147 = vector.extract_strided_slice %get3A_5 {offsets = [3], sizes = [1], strides = [1]} : vector<16xf32> to vector<1xf32>
    %squeeze3A_148 = vector.extract %slice3A_147[0] : f32 from vector<1xf32>
    %slice3A_149 = vector.extract_strided_slice %get3A_5 {offsets = [3], sizes = [1], strides = [1]} : vector<16xf32> to vector<1xf32>
    %squeeze3A_150 = vector.extract %slice3A_149[0] : f32 from vector<1xf32>
    %mul3A_151 = arith.mulf %squeeze3A_148, %squeeze3A_150 : f32
    %add3A_152 = arith.addf %mul3A_146, %mul3A_151 : f32
    %neg3A_153 = arith.constant 0.000000e+00 : f32
    %neg3A_154 = arith.subf %neg3A_153, %add3A_152 : f32
    %slice3A_155 = vector.extract_strided_slice %get3A_3 {offsets = [4], sizes = [1], strides = [1]} : vector<16xf32> to vector<1xf32>
    %squeeze3A_156 = vector.extract %slice3A_155[0] : f32 from vector<1xf32>
    %slice3A_157 = vector.extract_strided_slice %get3A_3 {offsets = [4], sizes = [1], strides = [1]} : vector<16xf32> to vector<1xf32>
    %squeeze3A_158 = vector.extract %slice3A_157[0] : f32 from vector<1xf32>
    %mul3A_159 = arith.mulf %squeeze3A_156, %squeeze3A_158 : f32
    %slice3A_160 = vector.extract_strided_slice %get3A_5 {offsets = [4], sizes = [1], strides = [1]} : vector<16xf32> to vector<1xf32>
    %squeeze3A_161 = vector.extract %slice3A_160[0] : f32 from vector<1xf32>
    %slice3A_162 = vector.extract_strided_slice %get3A_5 {offsets = [4], sizes = [1], strides = [1]} : vector<16xf32> to vector<1xf32>
    %squeeze3A_163 = vector.extract %slice3A_162[0] : f32 from vector<1xf32>
    %mul3A_164 = arith.mulf %squeeze3A_161, %squeeze3A_163 : f32
    %add3A_165 = arith.addf %mul3A_159, %mul3A_164 : f32
    %neg3A_166 = arith.constant 0.000000e+00 : f32
    %neg3A_167 = arith.subf %neg3A_166, %add3A_165 : f32
    %slice3A_168 = vector.extract_strided_slice %get3A_3 {offsets = [5], sizes = [1], strides = [1]} : vector<16xf32> to vector<1xf32>
    %squeeze3A_169 = vector.extract %slice3A_168[0] : f32 from vector<1xf32>
    %slice3A_170 = vector.extract_strided_slice %get3A_3 {offsets = [5], sizes = [1], strides = [1]} : vector<16xf32> to vector<1xf32>
    %squeeze3A_171 = vector.extract %slice3A_170[0] : f32 from vector<1xf32>
    %mul3A_172 = arith.mulf %squeeze3A_169, %squeeze3A_171 : f32
    %slice3A_173 = vector.extract_strided_slice %get3A_5 {offsets = [5], sizes = [1], strides = [1]} : vector<16xf32> to vector<1xf32>
    %squeeze3A_174 = vector.extract %slice3A_173[0] : f32 from vector<1xf32>
    %slice3A_175 = vector.extract_strided_slice %get3A_5 {offsets = [5], sizes = [1], strides = [1]} : vector<16xf32> to vector<1xf32>
    %squeeze3A_176 = vector.extract %slice3A_175[0] : f32 from vector<1xf32>
    %mul3A_177 = arith.mulf %squeeze3A_174, %squeeze3A_176 : f32
    %add3A_178 = arith.addf %mul3A_172, %mul3A_177 : f32
    %neg3A_179 = arith.constant 0.000000e+00 : f32
    %neg3A_180 = arith.subf %neg3A_179, %add3A_178 : f32
    %slice3A_181 = vector.extract_strided_slice %get3A_3 {offsets = [6], sizes = [1], strides = [1]} : vector<16xf32> to vector<1xf32>
    %squeeze3A_182 = vector.extract %slice3A_181[0] : f32 from vector<1xf32>
    %slice3A_183 = vector.extract_strided_slice %get3A_3 {offsets = [6], sizes = [1], strides = [1]} : vector<16xf32> to vector<1xf32>
    %squeeze3A_184 = vector.extract %slice3A_183[0] : f32 from vector<1xf32>
    %mul3A_185 = arith.mulf %squeeze3A_182, %squeeze3A_184 : f32
    %slice3A_186 = vector.extract_strided_slice %get3A_5 {offsets = [6], sizes = [1], strides = [1]} : vector<16xf32> to vector<1xf32>
    %squeeze3A_187 = vector.extract %slice3A_186[0] : f32 from vector<1xf32>
    %slice3A_188 = vector.extract_strided_slice %get3A_5 {offsets = [6], sizes = [1], strides = [1]} : vector<16xf32> to vector<1xf32>
    %squeeze3A_189 = vector.extract %slice3A_188[0] : f32 from vector<1xf32>
    %mul3A_190 = arith.mulf %squeeze3A_187, %squeeze3A_189 : f32
    %add3A_191 = arith.addf %mul3A_185, %mul3A_190 : f32
    %neg3A_192 = arith.constant 0.000000e+00 : f32
    %neg3A_193 = arith.subf %neg3A_192, %add3A_191 : f32
    %slice3A_194 = vector.extract_strided_slice %get3A_3 {offsets = [7], sizes = [1], strides = [1]} : vector<16xf32> to vector<1xf32>
    %squeeze3A_195 = vector.extract %slice3A_194[0] : f32 from vector<1xf32>
    %slice3A_196 = vector.extract_strided_slice %get3A_3 {offsets = [7], sizes = [1], strides = [1]} : vector<16xf32> to vector<1xf32>
    %squeeze3A_197 = vector.extract %slice3A_196[0] : f32 from vector<1xf32>
    %mul3A_198 = arith.mulf %squeeze3A_195, %squeeze3A_197 : f32
    %slice3A_199 = vector.extract_strided_slice %get3A_5 {offsets = [7], sizes = [1], strides = [1]} : vector<16xf32> to vector<1xf32>
    %squeeze3A_200 = vector.extract %slice3A_199[0] : f32 from vector<1xf32>
    %slice3A_201 = vector.extract_strided_slice %get3A_5 {offsets = [7], sizes = [1], strides = [1]} : vector<16xf32> to vector<1xf32>
    %squeeze3A_202 = vector.extract %slice3A_201[0] : f32 from vector<1xf32>
    %mul3A_203 = arith.mulf %squeeze3A_200, %squeeze3A_202 : f32
    %add3A_204 = arith.addf %mul3A_198, %mul3A_203 : f32
    %neg3A_205 = arith.constant 0.000000e+00 : f32
    %neg3A_206 = arith.subf %neg3A_205, %add3A_204 : f32
    %slice3A_207 = vector.extract_strided_slice %get3A_3 {offsets = [8], sizes = [1], strides = [1]} : vector<16xf32> to vector<1xf32>
    %squeeze3A_208 = vector.extract %slice3A_207[0] : f32 from vector<1xf32>
    %slice3A_209 = vector.extract_strided_slice %get3A_3 {offsets = [8], sizes = [1], strides = [1]} : vector<16xf32> to vector<1xf32>
    %squeeze3A_210 = vector.extract %slice3A_209[0] : f32 from vector<1xf32>
    %mul3A_211 = arith.mulf %squeeze3A_208, %squeeze3A_210 : f32
    %slice3A_212 = vector.extract_strided_slice %get3A_5 {offsets = [8], sizes = [1], strides = [1]} : vector<16xf32> to vector<1xf32>
    %squeeze3A_213 = vector.extract %slice3A_212[0] : f32 from vector<1xf32>
    %slice3A_214 = vector.extract_strided_slice %get3A_5 {offsets = [8], sizes = [1], strides = [1]} : vector<16xf32> to vector<1xf32>
    %squeeze3A_215 = vector.extract %slice3A_214[0] : f32 from vector<1xf32>
    %mul3A_216 = arith.mulf %squeeze3A_213, %squeeze3A_215 : f32
    %add3A_217 = arith.addf %mul3A_211, %mul3A_216 : f32
    %neg3A_218 = arith.constant 0.000000e+00 : f32
    %neg3A_219 = arith.subf %neg3A_218, %add3A_217 : f32
    %slice3A_220 = vector.extract_strided_slice %get3A_3 {offsets = [9], sizes = [1], strides = [1]} : vector<16xf32> to vector<1xf32>
    %squeeze3A_221 = vector.extract %slice3A_220[0] : f32 from vector<1xf32>
    %slice3A_222 = vector.extract_strided_slice %get3A_3 {offsets = [9], sizes = [1], strides = [1]} : vector<16xf32> to vector<1xf32>
    %squeeze3A_223 = vector.extract %slice3A_222[0] : f32 from vector<1xf32>
    %mul3A_224 = arith.mulf %squeeze3A_221, %squeeze3A_223 : f32
    %slice3A_225 = vector.extract_strided_slice %get3A_5 {offsets = [9], sizes = [1], strides = [1]} : vector<16xf32> to vector<1xf32>
    %squeeze3A_226 = vector.extract %slice3A_225[0] : f32 from vector<1xf32>
    %slice3A_227 = vector.extract_strided_slice %get3A_5 {offsets = [9], sizes = [1], strides = [1]} : vector<16xf32> to vector<1xf32>
    %squeeze3A_228 = vector.extract %slice3A_227[0] : f32 from vector<1xf32>
    %mul3A_229 = arith.mulf %squeeze3A_226, %squeeze3A_228 : f32
    %add3A_230 = arith.addf %mul3A_224, %mul3A_229 : f32
    %neg3A_231 = arith.constant 0.000000e+00 : f32
    %neg3A_232 = arith.subf %neg3A_231, %add3A_230 : f32
    %parallel_loop3A = arith.constant 0 : i32
    %parallel_loop3A_233 = arith.constant 32 : i32
    %parallel_loop3A_234 = arith.constant 1 : i32
    scf.for %parallel_loop3A_247 = %parallel_loop3A to %parallel_loop3A_233 step %parallel_loop3A_234  : i32 {
      %parallel_loop3A_248 = arith.constant 3 : i32
      %parallel_loop3A_249 = arith.shrui %parallel_loop3A_247, %parallel_loop3A_248 : i32
      %parallel_loop3A_250 = arith.constant 7 : i32
      %parallel_loop3A_251 = arith.andi %parallel_loop3A_247, %parallel_loop3A_250 : i32
      %parallel_loop3A_252 = arith.constant 256 : i32
      %parallel_loop3A_253 = arith.muli %parallel_loop3A_249, %parallel_loop3A_252 : i32
      %parallel_loop3A_254 = arith.constant 16 : i32
      %parallel_loop3A_255 = arith.muli %parallel_loop3A_251, %parallel_loop3A_254 : i32
      %parallel_loop3A_256 = arith.addi %parallel_loop3A_253, %parallel_loop3A_255 : i32
      %parallel_loop3A_257 = arith.index_cast %parallel_loop3A_256 : i32 to index
      %parallel_loop3A_258 = tpu.vector_load %arg6[%parallel_loop3A_257] {strides = array<i32>} : memref<1024xf32, #tpu.memory_space<vmem>>, vector<16xf32>,
      %parallel_loop3A_259 = arith.constant 128 : i32
      %parallel_loop3A_260 = arith.addi %parallel_loop3A_256, %parallel_loop3A_259 : i32
      %parallel_loop3A_261 = arith.index_cast %parallel_loop3A_260 : i32 to index
      %parallel_loop3A_262 = tpu.vector_load %arg6[%parallel_loop3A_261] {strides = array<i32>} : memref<1024xf32, #tpu.memory_space<vmem>>, vector<16xf32>,
      %parallel_loop3A_263 = arith.mulf %parallel_loop3A_258, %parallel_loop3A_258 : vector<16xf32>
      %parallel_loop3A_264 = arith.mulf %parallel_loop3A_262, %parallel_loop3A_262 : vector<16xf32>
      %parallel_loop3A_265 = arith.addf %parallel_loop3A_263, %parallel_loop3A_264 : vector<16xf32>
      %parallel_loop3A_266 = vector.broadcast %add3A_8 : f32 to vector<16xf32>
      %parallel_loop3A_267 = arith.mulf %parallel_loop3A_258, %parallel_loop3A_266 : vector<16xf32>
      %parallel_loop3A_268 = vector.broadcast %add3A_58 : f32 to vector<16xf32>
      %parallel_loop3A_269 = arith.mulf %parallel_loop3A_262, %parallel_loop3A_268 : vector<16xf32>
      %parallel_loop3A_270 = arith.addf %parallel_loop3A_267, %parallel_loop3A_269 : vector<16xf32>
      %parallel_loop3A_271 = vector.broadcast %neg3A_115 : f32 to vector<16xf32>
      %parallel_loop3A_272 = arith.addf %parallel_loop3A_270, %parallel_loop3A_271 : vector<16xf32>
      %parallel_loop3A_273 = vector.broadcast %add3A_13 : f32 to vector<16xf32>
      %parallel_loop3A_274 = arith.mulf %parallel_loop3A_258, %parallel_loop3A_273 : vector<16xf32>
      %parallel_loop3A_275 = vector.broadcast %add3A_63 : f32 to vector<16xf32>
      %parallel_loop3A_276 = arith.mulf %parallel_loop3A_262, %parallel_loop3A_275 : vector<16xf32>
      %parallel_loop3A_277 = arith.addf %parallel_loop3A_274, %parallel_loop3A_276 : vector<16xf32>
      %parallel_loop3A_278 = vector.broadcast %neg3A_128 : f32 to vector<16xf32>
      %parallel_loop3A_279 = arith.addf %parallel_loop3A_277, %parallel_loop3A_278 : vector<16xf32>
      %parallel_loop3A_280 = vector.broadcast %add3A_18 : f32 to vector<16xf32>
      %parallel_loop3A_281 = arith.mulf %parallel_loop3A_258, %parallel_loop3A_280 : vector<16xf32>
      %parallel_loop3A_282 = vector.broadcast %add3A_68 : f32 to vector<16xf32>
      %parallel_loop3A_283 = arith.mulf %parallel_loop3A_262, %parallel_loop3A_282 : vector<16xf32>
      %parallel_loop3A_284 = arith.addf %parallel_loop3A_281, %parallel_loop3A_283 : vector<16xf32>
      %parallel_loop3A_285 = vector.broadcast %neg3A_141 : f32 to vector<16xf32>
      %parallel_loop3A_286 = arith.addf %parallel_loop3A_284, %parallel_loop3A_285 : vector<16xf32>
      %parallel_loop3A_287 = vector.broadcast %add3A_23 : f32 to vector<16xf32>
      %parallel_loop3A_288 = arith.mulf %parallel_loop3A_258, %parallel_loop3A_287 : vector<16xf32>
      %parallel_loop3A_289 = vector.broadcast %add3A_73 : f32 to vector<16xf32>
      %parallel_loop3A_290 = arith.mulf %parallel_loop3A_262, %parallel_loop3A_289 : vector<16xf32>
      %parallel_loop3A_291 = arith.addf %parallel_loop3A_288, %parallel_loop3A_290 : vector<16xf32>
      %parallel_loop3A_292 = vector.broadcast %neg3A_154 : f32 to vector<16xf32>
      %parallel_loop3A_293 = arith.addf %parallel_loop3A_291, %parallel_loop3A_292 : vector<16xf32>
      %parallel_loop3A_294 = vector.broadcast %add3A_28 : f32 to vector<16xf32>
      %parallel_loop3A_295 = arith.mulf %parallel_loop3A_258, %parallel_loop3A_294 : vector<16xf32>
      %parallel_loop3A_296 = vector.broadcast %add3A_78 : f32 to vector<16xf32>
      %parallel_loop3A_297 = arith.mulf %parallel_loop3A_262, %parallel_loop3A_296 : vector<16xf32>
      %parallel_loop3A_298 = arith.addf %parallel_loop3A_295, %parallel_loop3A_297 : vector<16xf32>
      %parallel_loop3A_299 = vector.broadcast %neg3A_167 : f32 to vector<16xf32>
      %parallel_loop3A_300 = arith.addf %parallel_loop3A_298, %parallel_loop3A_299 : vector<16xf32>
      %parallel_loop3A_301 = vector.broadcast %add3A_33 : f32 to vector<16xf32>
      %parallel_loop3A_302 = arith.mulf %parallel_loop3A_258, %parallel_loop3A_301 : vector<16xf32>
      %parallel_loop3A_303 = vector.broadcast %add3A_83 : f32 to vector<16xf32>
      %parallel_loop3A_304 = arith.mulf %parallel_loop3A_262, %parallel_loop3A_303 : vector<16xf32>
      %parallel_loop3A_305 = arith.addf %parallel_loop3A_302, %parallel_loop3A_304 : vector<16xf32>
      %parallel_loop3A_306 = vector.broadcast %neg3A_180 : f32 to vector<16xf32>
      %parallel_loop3A_307 = arith.addf %parallel_loop3A_305, %parallel_loop3A_306 : vector<16xf32>
      %parallel_loop3A_308 = vector.broadcast %add3A_38 : f32 to vector<16xf32>
      %parallel_loop3A_309 = arith.mulf %parallel_loop3A_258, %parallel_loop3A_308 : vector<16xf32>
      %parallel_loop3A_310 = vector.broadcast %add3A_88 : f32 to vector<16xf32>
      %parallel_loop3A_311 = arith.mulf %parallel_loop3A_262, %parallel_loop3A_310 : vector<16xf32>
      %parallel_loop3A_312 = arith.addf %parallel_loop3A_309, %parallel_loop3A_311 : vector<16xf32>
      %parallel_loop3A_313 = vector.broadcast %neg3A_193 : f32 to vector<16xf32>
      %parallel_loop3A_314 = arith.addf %parallel_loop3A_312, %parallel_loop3A_313 : vector<16xf32>
      %parallel_loop3A_315 = vector.broadcast %add3A_43 : f32 to vector<16xf32>
      %parallel_loop3A_316 = arith.mulf %parallel_loop3A_258, %parallel_loop3A_315 : vector<16xf32>
      %parallel_loop3A_317 = vector.broadcast %add3A_93 : f32 to vector<16xf32>
      %parallel_loop3A_318 = arith.mulf %parallel_loop3A_262, %parallel_loop3A_317 : vector<16xf32>
      %parallel_loop3A_319 = arith.addf %parallel_loop3A_316, %parallel_loop3A_318 : vector<16xf32>
      %parallel_loop3A_320 = vector.broadcast %neg3A_206 : f32 to vector<16xf32>
      %parallel_loop3A_321 = arith.addf %parallel_loop3A_319, %parallel_loop3A_320 : vector<16xf32>
      %parallel_loop3A_322 = vector.broadcast %add3A_48 : f32 to vector<16xf32>
      %parallel_loop3A_323 = arith.mulf %parallel_loop3A_258, %parallel_loop3A_322 : vector<16xf32>
      %parallel_loop3A_324 = vector.broadcast %add3A_98 : f32 to vector<16xf32>
      %parallel_loop3A_325 = arith.mulf %parallel_loop3A_262, %parallel_loop3A_324 : vector<16xf32>
      %parallel_loop3A_326 = arith.addf %parallel_loop3A_323, %parallel_loop3A_325 : vector<16xf32>
      %parallel_loop3A_327 = vector.broadcast %neg3A_219 : f32 to vector<16xf32>
      %parallel_loop3A_328 = arith.addf %parallel_loop3A_326, %parallel_loop3A_327 : vector<16xf32>
      %parallel_loop3A_329 = vector.broadcast %add3A_53 : f32 to vector<16xf32>
      %parallel_loop3A_330 = arith.mulf %parallel_loop3A_258, %parallel_loop3A_329 : vector<16xf32>
      %parallel_loop3A_331 = vector.broadcast %add3A_103 : f32 to vector<16xf32>
      %parallel_loop3A_332 = arith.mulf %parallel_loop3A_262, %parallel_loop3A_331 : vector<16xf32>
      %parallel_loop3A_333 = arith.addf %parallel_loop3A_330, %parallel_loop3A_332 : vector<16xf32>
      %parallel_loop3A_334 = vector.broadcast %neg3A_232 : f32 to vector<16xf32>
      %parallel_loop3A_335 = arith.addf %parallel_loop3A_333, %parallel_loop3A_334 : vector<16xf32>
      %parallel_loop3A_336 = arith.maximumf %parallel_loop3A_272, %parallel_loop3A_279 : vector<16xf32>
      %parallel_loop3A_337 = arith.maximumf %parallel_loop3A_336, %parallel_loop3A_286 : vector<16xf32>
      %parallel_loop3A_338 = arith.maximumf %parallel_loop3A_337, %parallel_loop3A_293 : vector<16xf32>
      %parallel_loop3A_339 = arith.maximumf %parallel_loop3A_338, %parallel_loop3A_300 : vector<16xf32>
      %parallel_loop3A_340 = arith.maximumf %parallel_loop3A_339, %parallel_loop3A_307 : vector<16xf32>
      %parallel_loop3A_341 = arith.maximumf %parallel_loop3A_340, %parallel_loop3A_314 : vector<16xf32>
      %parallel_loop3A_342 = arith.maximumf %parallel_loop3A_341, %parallel_loop3A_321 : vector<16xf32>
      %parallel_loop3A_343 = arith.maximumf %parallel_loop3A_342, %parallel_loop3A_328 : vector<16xf32>
      %parallel_loop3A_344 = arith.maximumf %parallel_loop3A_343, %parallel_loop3A_335 : vector<16xf32>
      %parallel_loop3A_345 = arith.subf %parallel_loop3A_272, %parallel_loop3A_344 : vector<16xf32>
      %parallel_loop3A_346 = math.exp %parallel_loop3A_345 : vector<16xf32>
      %parallel_loop3A_347 = arith.subf %parallel_loop3A_279, %parallel_loop3A_344 : vector<16xf32>
      %parallel_loop3A_348 = math.exp %parallel_loop3A_347 : vector<16xf32>
      %parallel_loop3A_349 = arith.addf %parallel_loop3A_346, %parallel_loop3A_348 : vector<16xf32>
      %parallel_loop3A_350 = arith.subf %parallel_loop3A_286, %parallel_loop3A_344 : vector<16xf32>
      %parallel_loop3A_351 = math.exp %parallel_loop3A_350 : vector<16xf32>
      %parallel_loop3A_352 = arith.addf %parallel_loop3A_349, %parallel_loop3A_351 : vector<16xf32>
      %parallel_loop3A_353 = arith.subf %parallel_loop3A_293, %parallel_loop3A_344 : vector<16xf32>
      %parallel_loop3A_354 = math.exp %parallel_loop3A_353 : vector<16xf32>
      %parallel_loop3A_355 = arith.addf %parallel_loop3A_352, %parallel_loop3A_354 : vector<16xf32>
      %parallel_loop3A_356 = arith.subf %parallel_loop3A_300, %parallel_loop3A_344 : vector<16xf32>
      %parallel_loop3A_357 = math.exp %parallel_loop3A_356 : vector<16xf32>
      %parallel_loop3A_358 = arith.addf %parallel_loop3A_355, %parallel_loop3A_357 : vector<16xf32>
      %parallel_loop3A_359 = arith.subf %parallel_loop3A_307, %parallel_loop3A_344 : vector<16xf32>
      %parallel_loop3A_360 = math.exp %parallel_loop3A_359 : vector<16xf32>
      %parallel_loop3A_361 = arith.addf %parallel_loop3A_358, %parallel_loop3A_360 : vector<16xf32>
      %parallel_loop3A_362 = arith.subf %parallel_loop3A_314, %parallel_loop3A_344 : vector<16xf32>
      %parallel_loop3A_363 = math.exp %parallel_loop3A_362 : vector<16xf32>
      %parallel_loop3A_364 = arith.addf %parallel_loop3A_361, %parallel_loop3A_363 : vector<16xf32>
      %parallel_loop3A_365 = arith.subf %parallel_loop3A_321, %parallel_loop3A_344 : vector<16xf32>
      %parallel_loop3A_366 = math.exp %parallel_loop3A_365 : vector<16xf32>
      %parallel_loop3A_367 = arith.addf %parallel_loop3A_364, %parallel_loop3A_366 : vector<16xf32>
      %parallel_loop3A_368 = arith.subf %parallel_loop3A_328, %parallel_loop3A_344 : vector<16xf32>
      %parallel_loop3A_369 = math.exp %parallel_loop3A_368 : vector<16xf32>
      %parallel_loop3A_370 = arith.addf %parallel_loop3A_367, %parallel_loop3A_369 : vector<16xf32>
      %parallel_loop3A_371 = arith.subf %parallel_loop3A_335, %parallel_loop3A_344 : vector<16xf32>
      %parallel_loop3A_372 = math.exp %parallel_loop3A_371 : vector<16xf32>
      %parallel_loop3A_373 = arith.addf %parallel_loop3A_370, %parallel_loop3A_372 : vector<16xf32>
      %parallel_loop3A_374 = tpu.bitcast %parallel_loop3A_373 : vector<16xf32> -> vector<16xi32>
      %parallel_loop3A_375 = arith.constant 23 : i32
      %parallel_loop3A_376 = vector.broadcast %parallel_loop3A_375 : i32 to vector<16xi32>
      %parallel_loop3A_377 = arith.shrui %parallel_loop3A_374, %parallel_loop3A_376 : vector<16xi32>
      %parallel_loop3A_378 = arith.constant 127 : i32
      %parallel_loop3A_379 = vector.broadcast %parallel_loop3A_378 : i32 to vector<16xi32>
      %parallel_loop3A_380 = arith.subi %parallel_loop3A_377, %parallel_loop3A_379 : vector<16xi32>
      %parallel_loop3A_381 = arith.constant 8388607 : i32
      %parallel_loop3A_382 = vector.broadcast %parallel_loop3A_381 : i32 to vector<16xi32>
      %parallel_loop3A_383 = arith.andi %parallel_loop3A_374, %parallel_loop3A_382 : vector<16xi32>
      %parallel_loop3A_384 = arith.constant 1065353216 : i32
      %parallel_loop3A_385 = vector.broadcast %parallel_loop3A_384 : i32 to vector<16xi32>
      %parallel_loop3A_386 = arith.ori %parallel_loop3A_383, %parallel_loop3A_385 : vector<16xi32>
      %parallel_loop3A_387 = tpu.bitcast %parallel_loop3A_386 : vector<16xi32> -> vector<16xf32>
      %parallel_loop3A_388 = arith.constant 1.000000e+00 : f32
      %parallel_loop3A_389 = vector.broadcast %parallel_loop3A_388 : f32 to vector<16xf32>
      %parallel_loop3A_390 = arith.subf %parallel_loop3A_387, %parallel_loop3A_389 : vector<16xf32>
      %parallel_loop3A_391 = arith.constant 1.000000e+00 : f32
      %parallel_loop3A_392 = vector.broadcast %parallel_loop3A_391 : f32 to vector<16xf32>
      %parallel_loop3A_393 = arith.addf %parallel_loop3A_387, %parallel_loop3A_392 : vector<16xf32>
      %parallel_loop3A_394 = arith.divf %parallel_loop3A_390, %parallel_loop3A_393 : vector<16xf32>
      %parallel_loop3A_395 = arith.mulf %parallel_loop3A_394, %parallel_loop3A_394 : vector<16xf32>
      %parallel_loop3A_396 = arith.constant 0.111111112 : f32
      %parallel_loop3A_397 = vector.broadcast %parallel_loop3A_396 : f32 to vector<16xf32>
      %parallel_loop3A_398 = arith.mulf %parallel_loop3A_397, %parallel_loop3A_395 : vector<16xf32>
      %parallel_loop3A_399 = arith.constant 0.142857149 : f32
      %parallel_loop3A_400 = vector.broadcast %parallel_loop3A_399 : f32 to vector<16xf32>
      %parallel_loop3A_401 = arith.addf %parallel_loop3A_398, %parallel_loop3A_400 : vector<16xf32>
      %parallel_loop3A_402 = arith.mulf %parallel_loop3A_401, %parallel_loop3A_395 : vector<16xf32>
      %parallel_loop3A_403 = arith.constant 2.000000e-01 : f32
      %parallel_loop3A_404 = vector.broadcast %parallel_loop3A_403 : f32 to vector<16xf32>
      %parallel_loop3A_405 = arith.addf %parallel_loop3A_402, %parallel_loop3A_404 : vector<16xf32>
      %parallel_loop3A_406 = arith.mulf %parallel_loop3A_405, %parallel_loop3A_395 : vector<16xf32>
      %parallel_loop3A_407 = arith.constant 0.333333343 : f32
      %parallel_loop3A_408 = vector.broadcast %parallel_loop3A_407 : f32 to vector<16xf32>
      %parallel_loop3A_409 = arith.addf %parallel_loop3A_406, %parallel_loop3A_408 : vector<16xf32>
      %parallel_loop3A_410 = arith.mulf %parallel_loop3A_409, %parallel_loop3A_395 : vector<16xf32>
      %parallel_loop3A_411 = arith.constant 1.000000e+00 : f32
      %parallel_loop3A_412 = vector.broadcast %parallel_loop3A_411 : f32 to vector<16xf32>
      %parallel_loop3A_413 = arith.addf %parallel_loop3A_410, %parallel_loop3A_412 : vector<16xf32>
      %parallel_loop3A_414 = arith.constant 2.000000e+00 : f32
      %parallel_loop3A_415 = vector.broadcast %parallel_loop3A_414 : f32 to vector<16xf32>
      %parallel_loop3A_416 = arith.mulf %parallel_loop3A_415, %parallel_loop3A_394 : vector<16xf32>
      %parallel_loop3A_417 = arith.mulf %parallel_loop3A_416, %parallel_loop3A_413 : vector<16xf32>
      %parallel_loop3A_418 = arith.sitofp %parallel_loop3A_380 : vector<16xi32> to vector<16xf32>
      %parallel_loop3A_419 = arith.constant 0.693147182 : f32
      %parallel_loop3A_420 = vector.broadcast %parallel_loop3A_419 : f32 to vector<16xf32>
      %parallel_loop3A_421 = arith.mulf %parallel_loop3A_418, %parallel_loop3A_420 : vector<16xf32>
      %parallel_loop3A_422 = arith.addf %parallel_loop3A_417, %parallel_loop3A_421 : vector<16xf32>
      %parallel_loop3A_423 = arith.addf %parallel_loop3A_344, %parallel_loop3A_422 : vector<16xf32>
      %parallel_loop3A_424 = arith.constant 1024 : i32
      %parallel_loop3A_425 = arith.muli %parallel_loop3A_249, %parallel_loop3A_424 : i32
      %parallel_loop3A_426 = arith.constant 16 : i32
      %parallel_loop3A_427 = arith.muli %parallel_loop3A_251, %parallel_loop3A_426 : i32
      %parallel_loop3A_428 = arith.addi %parallel_loop3A_425, %parallel_loop3A_427 : i32
      %parallel_loop3A_429 = arith.constant 0 : i32
      %parallel_loop3A_430 = arith.addi %parallel_loop3A_428, %parallel_loop3A_429 : i32
      %parallel_loop3A_431 = arith.constant 0 : i32
      %parallel_loop3A_432 = arith.addi %parallel_loop3A_430, %parallel_loop3A_431 : i32
      %parallel_loop3A_433 = arith.subf %parallel_loop3A_272, %parallel_loop3A_265 : vector<16xf32>
      %parallel_loop3A_434 = arith.index_cast %parallel_loop3A_432 : i32 to index
      %parallel_loop3A_435 = tpu.vector_load %arg9[%parallel_loop3A_434] {strides = array<i32>} : memref<8192xf32, #tpu.memory_space<vmem>>, vector<16xf32>,
      tpu.vector_store %arg9[%parallel_loop3A_434], %parallel_loop3A_433 {strides = array<i32>} : memref<8192xf32, #tpu.memory_space<vmem>>, vector<16xf32>,
      %parallel_loop3A_436 = arith.subf %parallel_loop3A_272, %parallel_loop3A_423 : vector<16xf32>
      %parallel_loop3A_437 = arith.index_cast %parallel_loop3A_432 : i32 to index
      %parallel_loop3A_438 = tpu.vector_load %arg8[%parallel_loop3A_437] {strides = array<i32>} : memref<8192xf32, #tpu.memory_space<vmem>>, vector<16xf32>,
      tpu.vector_store %arg8[%parallel_loop3A_437], %parallel_loop3A_436 {strides = array<i32>} : memref<8192xf32, #tpu.memory_space<vmem>>, vector<16xf32>,
      %parallel_loop3A_439 = arith.constant 128 : i32
      %parallel_loop3A_440 = arith.addi %parallel_loop3A_428, %parallel_loop3A_439 : i32
      %parallel_loop3A_441 = arith.constant 0 : i32
      %parallel_loop3A_442 = arith.addi %parallel_loop3A_440, %parallel_loop3A_441 : i32
      %parallel_loop3A_443 = arith.subf %parallel_loop3A_279, %parallel_loop3A_265 : vector<16xf32>
      %parallel_loop3A_444 = arith.index_cast %parallel_loop3A_442 : i32 to index
      %parallel_loop3A_445 = tpu.vector_load %arg9[%parallel_loop3A_444] {strides = array<i32>} : memref<8192xf32, #tpu.memory_space<vmem>>, vector<16xf32>,
      tpu.vector_store %arg9[%parallel_loop3A_444], %parallel_loop3A_443 {strides = array<i32>} : memref<8192xf32, #tpu.memory_space<vmem>>, vector<16xf32>,
      %parallel_loop3A_446 = arith.subf %parallel_loop3A_279, %parallel_loop3A_423 : vector<16xf32>
      %parallel_loop3A_447 = arith.index_cast %parallel_loop3A_442 : i32 to index
      %parallel_loop3A_448 = tpu.vector_load %arg8[%parallel_loop3A_447] {strides = array<i32>} : memref<8192xf32, #tpu.memory_space<vmem>>, vector<16xf32>,
      tpu.vector_store %arg8[%parallel_loop3A_447], %parallel_loop3A_446 {strides = array<i32>} : memref<8192xf32, #tpu.memory_space<vmem>>, vector<16xf32>,
      %parallel_loop3A_449 = arith.constant 256 : i32
      %parallel_loop3A_450 = arith.addi %parallel_loop3A_428, %parallel_loop3A_449 : i32
      %parallel_loop3A_451 = arith.constant 0 : i32
      %parallel_loop3A_452 = arith.addi %parallel_loop3A_450, %parallel_loop3A_451 : i32
      %parallel_loop3A_453 = arith.subf %parallel_loop3A_286, %parallel_loop3A_265 : vector<16xf32>
      %parallel_loop3A_454 = arith.index_cast %parallel_loop3A_452 : i32 to index
      %parallel_loop3A_455 = tpu.vector_load %arg9[%parallel_loop3A_454] {strides = array<i32>} : memref<8192xf32, #tpu.memory_space<vmem>>, vector<16xf32>,
      tpu.vector_store %arg9[%parallel_loop3A_454], %parallel_loop3A_453 {strides = array<i32>} : memref<8192xf32, #tpu.memory_space<vmem>>, vector<16xf32>,
      %parallel_loop3A_456 = arith.subf %parallel_loop3A_286, %parallel_loop3A_423 : vector<16xf32>
      %parallel_loop3A_457 = arith.index_cast %parallel_loop3A_452 : i32 to index
      %parallel_loop3A_458 = tpu.vector_load %arg8[%parallel_loop3A_457] {strides = array<i32>} : memref<8192xf32, #tpu.memory_space<vmem>>, vector<16xf32>,
      tpu.vector_store %arg8[%parallel_loop3A_457], %parallel_loop3A_456 {strides = array<i32>} : memref<8192xf32, #tpu.memory_space<vmem>>, vector<16xf32>,
      %parallel_loop3A_459 = arith.constant 384 : i32
      %parallel_loop3A_460 = arith.addi %parallel_loop3A_428, %parallel_loop3A_459 : i32
      %parallel_loop3A_461 = arith.constant 0 : i32
      %parallel_loop3A_462 = arith.addi %parallel_loop3A_460, %parallel_loop3A_461 : i32
      %parallel_loop3A_463 = arith.subf %parallel_loop3A_293, %parallel_loop3A_265 : vector<16xf32>
      %parallel_loop3A_464 = arith.index_cast %parallel_loop3A_462 : i32 to index
      %parallel_loop3A_465 = tpu.vector_load %arg9[%parallel_loop3A_464] {strides = array<i32>} : memref<8192xf32, #tpu.memory_space<vmem>>, vector<16xf32>,
      tpu.vector_store %arg9[%parallel_loop3A_464], %parallel_loop3A_463 {strides = array<i32>} : memref<8192xf32, #tpu.memory_space<vmem>>, vector<16xf32>,
      %parallel_loop3A_466 = arith.subf %parallel_loop3A_293, %parallel_loop3A_423 : vector<16xf32>
      %parallel_loop3A_467 = arith.index_cast %parallel_loop3A_462 : i32 to index
      %parallel_loop3A_468 = tpu.vector_load %arg8[%parallel_loop3A_467] {strides = array<i32>} : memref<8192xf32, #tpu.memory_space<vmem>>, vector<16xf32>,
      tpu.vector_store %arg8[%parallel_loop3A_467], %parallel_loop3A_466 {strides = array<i32>} : memref<8192xf32, #tpu.memory_space<vmem>>, vector<16xf32>,
      %parallel_loop3A_469 = arith.constant 512 : i32
      %parallel_loop3A_470 = arith.addi %parallel_loop3A_428, %parallel_loop3A_469 : i32
      %parallel_loop3A_471 = arith.constant 0 : i32
      %parallel_loop3A_472 = arith.addi %parallel_loop3A_470, %parallel_loop3A_471 : i32
      %parallel_loop3A_473 = arith.subf %parallel_loop3A_300, %parallel_loop3A_265 : vector<16xf32>
      %parallel_loop3A_474 = arith.index_cast %parallel_loop3A_472 : i32 to index
      %parallel_loop3A_475 = tpu.vector_load %arg9[%parallel_loop3A_474] {strides = array<i32>} : memref<8192xf32, #tpu.memory_space<vmem>>, vector<16xf32>,
      tpu.vector_store %arg9[%parallel_loop3A_474], %parallel_loop3A_473 {strides = array<i32>} : memref<8192xf32, #tpu.memory_space<vmem>>, vector<16xf32>,
      %parallel_loop3A_476 = arith.subf %parallel_loop3A_300, %parallel_loop3A_423 : vector<16xf32>
      %parallel_loop3A_477 = arith.index_cast %parallel_loop3A_472 : i32 to index
      %parallel_loop3A_478 = tpu.vector_load %arg8[%parallel_loop3A_477] {strides = array<i32>} : memref<8192xf32, #tpu.memory_space<vmem>>, vector<16xf32>,
      tpu.vector_store %arg8[%parallel_loop3A_477], %parallel_loop3A_476 {strides = array<i32>} : memref<8192xf32, #tpu.memory_space<vmem>>, vector<16xf32>,
      %parallel_loop3A_479 = arith.constant 640 : i32
      %parallel_loop3A_480 = arith.addi %parallel_loop3A_428, %parallel_loop3A_479 : i32
      %parallel_loop3A_481 = arith.constant 0 : i32
      %parallel_loop3A_482 = arith.addi %parallel_loop3A_480, %parallel_loop3A_481 : i32
      %parallel_loop3A_483 = arith.subf %parallel_loop3A_307, %parallel_loop3A_265 : vector<16xf32>
      %parallel_loop3A_484 = arith.index_cast %parallel_loop3A_482 : i32 to index
      %parallel_loop3A_485 = tpu.vector_load %arg9[%parallel_loop3A_484] {strides = array<i32>} : memref<8192xf32, #tpu.memory_space<vmem>>, vector<16xf32>,
      tpu.vector_store %arg9[%parallel_loop3A_484], %parallel_loop3A_483 {strides = array<i32>} : memref<8192xf32, #tpu.memory_space<vmem>>, vector<16xf32>,
      %parallel_loop3A_486 = arith.subf %parallel_loop3A_307, %parallel_loop3A_423 : vector<16xf32>
      %parallel_loop3A_487 = arith.index_cast %parallel_loop3A_482 : i32 to index
      %parallel_loop3A_488 = tpu.vector_load %arg8[%parallel_loop3A_487] {strides = array<i32>} : memref<8192xf32, #tpu.memory_space<vmem>>, vector<16xf32>,
      tpu.vector_store %arg8[%parallel_loop3A_487], %parallel_loop3A_486 {strides = array<i32>} : memref<8192xf32, #tpu.memory_space<vmem>>, vector<16xf32>,
      %parallel_loop3A_489 = arith.constant 768 : i32
      %parallel_loop3A_490 = arith.addi %parallel_loop3A_428, %parallel_loop3A_489 : i32
      %parallel_loop3A_491 = arith.constant 0 : i32
      %parallel_loop3A_492 = arith.addi %parallel_loop3A_490, %parallel_loop3A_491 : i32
      %parallel_loop3A_493 = arith.subf %parallel_loop3A_314, %parallel_loop3A_265 : vector<16xf32>
      %parallel_loop3A_494 = arith.index_cast %parallel_loop3A_492 : i32 to index
      %parallel_loop3A_495 = tpu.vector_load %arg9[%parallel_loop3A_494] {strides = array<i32>} : memref<8192xf32, #tpu.memory_space<vmem>>, vector<16xf32>,
      tpu.vector_store %arg9[%parallel_loop3A_494], %parallel_loop3A_493 {strides = array<i32>} : memref<8192xf32, #tpu.memory_space<vmem>>, vector<16xf32>,
      %parallel_loop3A_496 = arith.subf %parallel_loop3A_314, %parallel_loop3A_423 : vector<16xf32>
      %parallel_loop3A_497 = arith.index_cast %parallel_loop3A_492 : i32 to index
      %parallel_loop3A_498 = tpu.vector_load %arg8[%parallel_loop3A_497] {strides = array<i32>} : memref<8192xf32, #tpu.memory_space<vmem>>, vector<16xf32>,
      tpu.vector_store %arg8[%parallel_loop3A_497], %parallel_loop3A_496 {strides = array<i32>} : memref<8192xf32, #tpu.memory_space<vmem>>, vector<16xf32>,
      %parallel_loop3A_499 = arith.constant 896 : i32
      %parallel_loop3A_500 = arith.addi %parallel_loop3A_428, %parallel_loop3A_499 : i32
      %parallel_loop3A_501 = arith.constant 0 : i32
      %parallel_loop3A_502 = arith.addi %parallel_loop3A_500, %parallel_loop3A_501 : i32
      %parallel_loop3A_503 = arith.subf %parallel_loop3A_321, %parallel_loop3A_265 : vector<16xf32>
      %parallel_loop3A_504 = arith.index_cast %parallel_loop3A_502 : i32 to index
      %parallel_loop3A_505 = tpu.vector_load %arg9[%parallel_loop3A_504] {strides = array<i32>} : memref<8192xf32, #tpu.memory_space<vmem>>, vector<16xf32>,
      tpu.vector_store %arg9[%parallel_loop3A_504], %parallel_loop3A_503 {strides = array<i32>} : memref<8192xf32, #tpu.memory_space<vmem>>, vector<16xf32>,
      %parallel_loop3A_506 = arith.subf %parallel_loop3A_321, %parallel_loop3A_423 : vector<16xf32>
      %parallel_loop3A_507 = arith.index_cast %parallel_loop3A_502 : i32 to index
      %parallel_loop3A_508 = tpu.vector_load %arg8[%parallel_loop3A_507] {strides = array<i32>} : memref<8192xf32, #tpu.memory_space<vmem>>, vector<16xf32>,
      tpu.vector_store %arg8[%parallel_loop3A_507], %parallel_loop3A_506 {strides = array<i32>} : memref<8192xf32, #tpu.memory_space<vmem>>, vector<16xf32>,
      %parallel_loop3A_509 = arith.constant 0 : i32
      %parallel_loop3A_510 = arith.addi %parallel_loop3A_428, %parallel_loop3A_509 : i32
      %parallel_loop3A_511 = arith.constant 4096 : i32
      %parallel_loop3A_512 = arith.addi %parallel_loop3A_510, %parallel_loop3A_511 : i32
      %parallel_loop3A_513 = arith.subf %parallel_loop3A_328, %parallel_loop3A_265 : vector<16xf32>
      %parallel_loop3A_514 = arith.index_cast %parallel_loop3A_512 : i32 to index
      %parallel_loop3A_515 = tpu.vector_load %arg9[%parallel_loop3A_514] {strides = array<i32>} : memref<8192xf32, #tpu.memory_space<vmem>>, vector<16xf32>,
      tpu.vector_store %arg9[%parallel_loop3A_514], %parallel_loop3A_513 {strides = array<i32>} : memref<8192xf32, #tpu.memory_space<vmem>>, vector<16xf32>,
      %parallel_loop3A_516 = arith.subf %parallel_loop3A_328, %parallel_loop3A_423 : vector<16xf32>
      %parallel_loop3A_517 = arith.index_cast %parallel_loop3A_512 : i32 to index
      %parallel_loop3A_518 = tpu.vector_load %arg8[%parallel_loop3A_517] {strides = array<i32>} : memref<8192xf32, #tpu.memory_space<vmem>>, vector<16xf32>,
      tpu.vector_store %arg8[%parallel_loop3A_517], %parallel_loop3A_516 {strides = array<i32>} : memref<8192xf32, #tpu.memory_space<vmem>>, vector<16xf32>,
      %parallel_loop3A_519 = arith.constant 128 : i32
      %parallel_loop3A_520 = arith.addi %parallel_loop3A_428, %parallel_loop3A_519 : i32
      %parallel_loop3A_521 = arith.constant 4096 : i32
      %parallel_loop3A_522 = arith.addi %parallel_loop3A_520, %parallel_loop3A_521 : i32
      %parallel_loop3A_523 = arith.subf %parallel_loop3A_335, %parallel_loop3A_265 : vector<16xf32>
      %parallel_loop3A_524 = arith.index_cast %parallel_loop3A_522 : i32 to index
      %parallel_loop3A_525 = tpu.vector_load %arg9[%parallel_loop3A_524] {strides = array<i32>} : memref<8192xf32, #tpu.memory_space<vmem>>, vector<16xf32>,
      tpu.vector_store %arg9[%parallel_loop3A_524], %parallel_loop3A_523 {strides = array<i32>} : memref<8192xf32, #tpu.memory_space<vmem>>, vector<16xf32>,
      %parallel_loop3A_526 = arith.subf %parallel_loop3A_335, %parallel_loop3A_423 : vector<16xf32>
      %parallel_loop3A_527 = arith.index_cast %parallel_loop3A_522 : i32 to index
      %parallel_loop3A_528 = tpu.vector_load %arg8[%parallel_loop3A_527] {strides = array<i32>} : memref<8192xf32, #tpu.memory_space<vmem>>, vector<16xf32>,
      tpu.vector_store %arg8[%parallel_loop3A_527], %parallel_loop3A_526 {strides = array<i32>} : memref<8192xf32, #tpu.memory_space<vmem>>, vector<16xf32>,
    } {sc.loop_unroll_factor = 2 : i64, sc.parallel_access}
    %mul3A_235 = arith.constant 4096 : i32
    %mul3A_236 = arith.muli %add3A, %mul3A_235 : i32
    "tpu.region"() ({
      %run_scoped3A = tpu.sem_alloc : memref<!tpu.dma_semaphore, #tpu.memory_space<semaphore_mem>>
      %dma_start3A = arith.constant 0 : i32
      %dma_start3A_247 = tpu.memref_slice %arg8[%dma_start3A] : memref<8192xf32, #tpu.memory_space<vmem>> -> memref<4096xf32, #tpu.memory_space<vmem>>
      %dma_start3A_248 = tpu.memref_slice %arg4[%mul3A_236] : memref<262144xf32, #tpu.memory_space<hbm>> -> memref<4096xf32, #tpu.memory_space<hbm>>
      %dma_start3A_249 = tpu.memref_slice %arg4[%mul3A_236] : memref<262144xf32, #tpu.memory_space<hbm>> -> memref<4096xf32, #tpu.memory_space<hbm>>
      %dma_start3A_250 = arith.constant 0 : i32
      %dma_start3A_251 = tpu.memref_slice %arg8[%dma_start3A_250] : memref<8192xf32, #tpu.memory_space<vmem>> -> memref<4096xf32, #tpu.memory_space<vmem>>
      tpu.enqueue_dma source(%dma_start3A_251 : memref<4096xf32, #tpu.memory_space<vmem>>) target(%dma_start3A_249 : memref<4096xf32, #tpu.memory_space<hbm>>) target_semaphore(%run_scoped3A : memref<!tpu.dma_semaphore, #tpu.memory_space<semaphore_mem>>)
      %dma_wait3A = arith.constant 0 : i32
      %dma_wait3A_252 = tpu.memref_slice %arg8[%dma_wait3A] : memref<8192xf32, #tpu.memory_space<vmem>> -> memref<4096xf32, #tpu.memory_space<vmem>>
      %dma_wait3A_253 = tpu.memref_slice %arg4[%mul3A_236] : memref<262144xf32, #tpu.memory_space<hbm>> -> memref<4096xf32, #tpu.memory_space<hbm>>
      %dma_wait3A_254 = tpu.memref_slice %arg4[%mul3A_236] : memref<262144xf32, #tpu.memory_space<hbm>> -> memref<4096xf32, #tpu.memory_space<hbm>>
      %dma_wait3A_255 = arith.constant 0 : i32
      %dma_wait3A_256 = tpu.memref_slice %arg8[%dma_wait3A_255] : memref<8192xf32, #tpu.memory_space<vmem>> -> memref<4096xf32, #tpu.memory_space<vmem>>
      tpu.wait_dma2 semaphore(%run_scoped3A : memref<!tpu.dma_semaphore, #tpu.memory_space<semaphore_mem>>) src(%dma_wait3A_256 : memref<4096xf32, #tpu.memory_space<vmem>>) dst(%dma_wait3A_254 : memref<4096xf32, #tpu.memory_space<hbm>>)
      tpu.yield
    }) : () -> ()
    %mul3A_237 = arith.constant 4096 : i32
    %mul3A_238 = arith.muli %add3A, %mul3A_237 : i32
    %add3A_239 = arith.constant 131072 : i32
    %add3A_240 = arith.addi %add3A_239, %mul3A_238 : i32
    "tpu.region"() ({
      %run_scoped3A = tpu.sem_alloc : memref<!tpu.dma_semaphore, #tpu.memory_space<semaphore_mem>>
      %dma_start3A = arith.constant 4096 : i32
      %dma_start3A_247 = tpu.memref_slice %arg8[%dma_start3A] : memref<8192xf32, #tpu.memory_space<vmem>> -> memref<4096xf32, #tpu.memory_space<vmem>>
      %dma_start3A_248 = tpu.memref_slice %arg4[%add3A_240] : memref<262144xf32, #tpu.memory_space<hbm>> -> memref<4096xf32, #tpu.memory_space<hbm>>
      %dma_start3A_249 = tpu.memref_slice %arg4[%add3A_240] : memref<262144xf32, #tpu.memory_space<hbm>> -> memref<4096xf32, #tpu.memory_space<hbm>>
      %dma_start3A_250 = arith.constant 4096 : i32
      %dma_start3A_251 = tpu.memref_slice %arg8[%dma_start3A_250] : memref<8192xf32, #tpu.memory_space<vmem>> -> memref<4096xf32, #tpu.memory_space<vmem>>
      tpu.enqueue_dma source(%dma_start3A_251 : memref<4096xf32, #tpu.memory_space<vmem>>) target(%dma_start3A_249 : memref<4096xf32, #tpu.memory_space<hbm>>) target_semaphore(%run_scoped3A : memref<!tpu.dma_semaphore, #tpu.memory_space<semaphore_mem>>)
      %dma_wait3A = arith.constant 4096 : i32
      %dma_wait3A_252 = tpu.memref_slice %arg8[%dma_wait3A] : memref<8192xf32, #tpu.memory_space<vmem>> -> memref<4096xf32, #tpu.memory_space<vmem>>
      %dma_wait3A_253 = tpu.memref_slice %arg4[%add3A_240] : memref<262144xf32, #tpu.memory_space<hbm>> -> memref<4096xf32, #tpu.memory_space<hbm>>
      %dma_wait3A_254 = tpu.memref_slice %arg4[%add3A_240] : memref<262144xf32, #tpu.memory_space<hbm>> -> memref<4096xf32, #tpu.memory_space<hbm>>
      %dma_wait3A_255 = arith.constant 4096 : i32
      %dma_wait3A_256 = tpu.memref_slice %arg8[%dma_wait3A_255] : memref<8192xf32, #tpu.memory_space<vmem>> -> memref<4096xf32, #tpu.memory_space<vmem>>
      tpu.wait_dma2 semaphore(%run_scoped3A : memref<!tpu.dma_semaphore, #tpu.memory_space<semaphore_mem>>) src(%dma_wait3A_256 : memref<4096xf32, #tpu.memory_space<vmem>>) dst(%dma_wait3A_254 : memref<4096xf32, #tpu.memory_space<hbm>>)
      tpu.yield
    }) : () -> ()
    %mul3A_241 = arith.constant 4096 : i32
    %mul3A_242 = arith.muli %add3A, %mul3A_241 : i32
    "tpu.region"() ({
      %run_scoped3A = tpu.sem_alloc : memref<!tpu.dma_semaphore, #tpu.memory_space<semaphore_mem>>
      %dma_start3A = arith.constant 0 : i32
      %dma_start3A_247 = tpu.memref_slice %arg9[%dma_start3A] : memref<8192xf32, #tpu.memory_space<vmem>> -> memref<4096xf32, #tpu.memory_space<vmem>>
      %dma_start3A_248 = tpu.memref_slice %arg5[%mul3A_242] : memref<262144xf32, #tpu.memory_space<hbm>> -> memref<4096xf32, #tpu.memory_space<hbm>>
      %dma_start3A_249 = tpu.memref_slice %arg5[%mul3A_242] : memref<262144xf32, #tpu.memory_space<hbm>> -> memref<4096xf32, #tpu.memory_space<hbm>>
      %dma_start3A_250 = arith.constant 0 : i32
      %dma_start3A_251 = tpu.memref_slice %arg9[%dma_start3A_250] : memref<8192xf32, #tpu.memory_space<vmem>> -> memref<4096xf32, #tpu.memory_space<vmem>>
      tpu.enqueue_dma source(%dma_start3A_251 : memref<4096xf32, #tpu.memory_space<vmem>>) target(%dma_start3A_249 : memref<4096xf32, #tpu.memory_space<hbm>>) target_semaphore(%run_scoped3A : memref<!tpu.dma_semaphore, #tpu.memory_space<semaphore_mem>>)
      %dma_wait3A = arith.constant 0 : i32
      %dma_wait3A_252 = tpu.memref_slice %arg9[%dma_wait3A] : memref<8192xf32, #tpu.memory_space<vmem>> -> memref<4096xf32, #tpu.memory_space<vmem>>
      %dma_wait3A_253 = tpu.memref_slice %arg5[%mul3A_242] : memref<262144xf32, #tpu.memory_space<hbm>> -> memref<4096xf32, #tpu.memory_space<hbm>>
      %dma_wait3A_254 = tpu.memref_slice %arg5[%mul3A_242] : memref<262144xf32, #tpu.memory_space<hbm>> -> memref<4096xf32, #tpu.memory_space<hbm>>
      %dma_wait3A_255 = arith.constant 0 : i32
      %dma_wait3A_256 = tpu.memref_slice %arg9[%dma_wait3A_255] : memref<8192xf32, #tpu.memory_space<vmem>> -> memref<4096xf32, #tpu.memory_space<vmem>>
      tpu.wait_dma2 semaphore(%run_scoped3A : memref<!tpu.dma_semaphore, #tpu.memory_space<semaphore_mem>>) src(%dma_wait3A_256 : memref<4096xf32, #tpu.memory_space<vmem>>) dst(%dma_wait3A_254 : memref<4096xf32, #tpu.memory_space<hbm>>)
      tpu.yield
    }) : () -> ()
    %mul3A_243 = arith.constant 4096 : i32
    %mul3A_244 = arith.muli %add3A, %mul3A_243 : i32
    %add3A_245 = arith.constant 131072 : i32
    %add3A_246 = arith.addi %add3A_245, %mul3A_244 : i32
    "tpu.region"() ({
      %run_scoped3A = tpu.sem_alloc : memref<!tpu.dma_semaphore, #tpu.memory_space<semaphore_mem>>
      %dma_start3A = arith.constant 4096 : i32
      %dma_start3A_247 = tpu.memref_slice %arg9[%dma_start3A] : memref<8192xf32, #tpu.memory_space<vmem>> -> memref<4096xf32, #tpu.memory_space<vmem>>
      %dma_start3A_248 = tpu.memref_slice %arg5[%add3A_246] : memref<262144xf32, #tpu.memory_space<hbm>> -> memref<4096xf32, #tpu.memory_space<hbm>>
      %dma_start3A_249 = tpu.memref_slice %arg5[%add3A_246] : memref<262144xf32, #tpu.memory_space<hbm>> -> memref<4096xf32, #tpu.memory_space<hbm>>
      %dma_start3A_250 = arith.constant 4096 : i32
      %dma_start3A_251 = tpu.memref_slice %arg9[%dma_start3A_250] : memref<8192xf32, #tpu.memory_space<vmem>> -> memref<4096xf32, #tpu.memory_space<vmem>>
      tpu.enqueue_dma source(%dma_start3A_251 : memref<4096xf32, #tpu.memory_space<vmem>>) target(%dma_start3A_249 : memref<4096xf32, #tpu.memory_space<hbm>>) target_semaphore(%run_scoped3A : memref<!tpu.dma_semaphore, #tpu.memory_space<semaphore_mem>>)
      %dma_wait3A = arith.constant 4096 : i32
      %dma_wait3A_252 = tpu.memref_slice %arg9[%dma_wait3A] : memref<8192xf32, #tpu.memory_space<vmem>> -> memref<4096xf32, #tpu.memory_space<vmem>>
      %dma_wait3A_253 = tpu.memref_slice %arg5[%add3A_246] : memref<262144xf32, #tpu.memory_space<hbm>> -> memref<4096xf32, #tpu.memory_space<hbm>>
      %dma_wait3A_254 = tpu.memref_slice %arg5[%add3A_246] : memref<262144xf32, #tpu.memory_space<hbm>> -> memref<4096xf32, #tpu.memory_space<hbm>>
      %dma_wait3A_255 = arith.constant 4096 : i32
      %dma_wait3A_256 = tpu.memref_slice %arg9[%dma_wait3A_255] : memref<8192xf32, #tpu.memory_space<vmem>> -> memref<4096xf32, #tpu.memory_space<vmem>>
      tpu.wait_dma2 semaphore(%run_scoped3A : memref<!tpu.dma_semaphore, #tpu.memory_space<semaphore_mem>>) src(%dma_wait3A_256 : memref<4096xf32, #tpu.memory_space<vmem>>) dst(%dma_wait3A_254 : memref<4096xf32, #tpu.memory_space<hbm>>)
      tpu.yield
    }) : () -> ()
    return
  }
}

</mosaic_0001>

<sc_bundles>
// kernel: kernel.3.cloned.1.call-start
scs
__scs_entry_jumppad:
0x0: {  	(pc) =	sbr.rel $0x88, $3  }
0x1: {  	(tag) =	ssettag $0x0;
	lr =	simm.s32 $0x1  }
0x2: {  	[smem:$0x3F9F] =	sst lr;
	_ =	strace $0xD0000000  }
0x3: {  	_ = 	snop  }
0x4: {  	_ = 	snop  }
0x5: {  	_ = 	snop  }
0x6: {  	_ = 	snop  }
0x7: {  	_ = 	snop  }
__scs_overlays_trampoline_lowered:
0x8: {  	[smem:$0x3FAE] =	sst s0  }
0x9: {  	[smem:$0x3FAF] =	sst s1  }
0xa: {  	[smem:$0x3FB0] =	sst s2  }
0xb: {  	[smem:$0x3FB1] =	sst s3  }
0xc: {  	[smem:$0x3FB2] =	sst s4  }
0xd: {  	[smem:$0x3FB3] =	sst s5  }
0xe: {  	[smem:$0x3FB4] =	sst s6  }
0xf: {  	[smem:$0x3FB5] =	sst s7  }
0x10: {  	[smem:$0x3FB6] =	sst s8  }
0x11: {  	[smem:$0x3FB7] =	sst s9;
	s0 =	simm.s32 @!p0 $0x0  }
0x12: {  	s1 =	sld [smem:$0x3F9D];
	s0 =	simm.s32 @p0 $0x1  }
0x13: {  	[smem:$0x3FB8] =	sst s0;
	s0 =	simm.s32 @!p1 $0x0  }
0x14: {  	s2 =	sld [smem:$0x3F9C];
	s0 =	simm.s32 @p1 $0x1  }
0x15: {  	[smem:$0x3FB9] =	sst s0;
	s0 =	simm.s32 @!p2 $0x0  }
0x16: {  	s3 =	sld [smem:$0x3FDB];
	s0 =	simm.s32 @p2 $0x1  }
0x17: {  	s4 =	simm.s32 $0x1BF5;
	[smem:$0x3FBB] =	sst s0  }
0x18: {  	s0 =	sld [smem:$0x3F9E];
	_ =	swait.ge [sflag:s4], $0x0  }
0x19: {  	s7 =	sld [smem:$0x3F9F]  }
0x1a: {  	s8 =	sadd.s32 $0xFFFFE003, lr  }
0x1b: {  	s9 =	sadd.s32 $0xFFFFFEF7, lr;
	s5 =	simm.s32 $0xFFFFFFFF;
	p2 =	slt.u32 s8, $0xFFFFF086  }
0x1c: {  	p1 =	slt.u32 s9, $0xF7A;
	s5 =	simm.s32 @!p2 $0x0  }
0x1d: {  	s5 =	simm.s32 @p1 $0x1;
	p0 =	seq.s32 s7, s2  }
0x1e: {  	s7 =	smul.u32 @!p0 $0xF7A, s2;
	p2 =	seq.s32 @!p0 s5, $0x0  }
0x1f: {  	s9 =	smul.u32 $0xF7A, s1;
	s8 =	simm.s32 @!p0 $0x1BF5;
	p2 =	por !p2, p0  }
0x20: {  	[sflag:s8] =	ssyncset.s32 @!p0 $0xFFFFF086;
	s6 =	sadd.s32 @!p0 s3, s7;
	s7 =	simm.s32 @!p0 $0x108  }
0x21: {  	s3 =	sadd.s32 s3, s9;
	s6 =	sadd.s32 @!p0 $0x88, s6;
	s7 =	simm.s32 @p2 $0x1082  }
0x22: {  	[simem:s7], [sflag:s8] =	dma.local @!p0 [hbm:s6], $0xF7A  }
0x23: {  	s9 =	sor.u32 $0xD0000000, s2;
	s6 =	simm.s32 $0x108;
	_ =	swait.ge @!p0 [sflag:s8], $0x0  }
0x24: {  	s3 =	sadd.s32 $0x88, s3;
	s6 =	simm.s32 @!p1 $0x1082;
	[sflag:s4] =	ssyncset.s32 $0xFFFFF086  }
0x25: {  	[simem:s6], [sflag:s4] =	dma.local [hbm:s3], $0xF7A  }
0x26: {  	[smem:$0x3F9F] =	sst s1;
	(tag) =	ssettag s2;
	_ =	strace s9  }
0x27: {  	s1 =	sld [smem:$0x3FAF]  }
0x28: {  	s2 =	sld [smem:$0x3FB0]  }
0x29: {  	s4 =	sld [smem:$0x3FB2]  }
0x2a: {  	p0 =	seq.s32 s5, $0x0;
	s5 =	sld [smem:$0x3FB3]  }
0x2b: {  	s6 =	sld [smem:$0x3FB4]  }
0x2c: {  	s7 =	sld [smem:$0x3FB5]  }
0x2d: {  	s3 =	simm.s32 $0x108;
	s8 =	sld [smem:$0x3FB6]  }
0x2e: {  	s3 =	simm.s32 @!p0 $0x1082;
	s9 =	sld [smem:$0x3FB7]  }
0x2f: {  	lr =	sadd.s32 s0, s3;
	s0 =	sld [smem:$0x3FAE]  }
0x30: {  	s3 =	sld [smem:$0x3FB1]  }
0x31: {  	[smem:$0x3FBA] =	sst s10  }
0x32: {  	s10 =	sld [smem:$0x3FB8];
	_ =	sdelay $0x3  }
0x33: {  	p0 =	seq.s32 s10, $0x1;
	s10 =	sld [smem:$0x3FBA];
	_ =	sdelay $0x3  }
0x34: {  	[smem:$0x3FBA] =	sst s10  }
0x35: {  	s10 =	sld [smem:$0x3FB9];
	_ =	sdelay $0x3  }
0x36: {  	p1 =	seq.s32 s10, $0x1;
	s10 =	sld [smem:$0x3FBA];
	_ =	sdelay $0x3  }
0x37: {  	[smem:$0x3FBA] =	sst s10  }
0x38: {  	s10 =	sld [smem:$0x3FBB]  }
0x39: {  	_ = 	snop;
	(pc) =	sbr.ind lr, $3  }
0x3a: {  	_ = 	snop  }
0x3b: {  	_ = 	snop  }
0x3c: {  	p2 =	seq.s32 s10, $0x1;
	s10 =	sld [smem:$0x3FBA]  }
0x3d: {  	_ =	shalt  }
0x3e: {  	_ =	shalt  }
0x3f: {  	_ =	shalt  }
0x40: {  	_ =	shalt  }
0x41: {  	_ =	shalt  }
0x42: {  	_ =	shalt  }
0x43: {  	_ =	shalt  }
0x44: {  	_ =	shalt  }
0x45: {  	_ =	shalt  }
0x46: {  	_ =	shalt  }
0x47: {  	_ =	shalt  }
0x48: {  	_ =	shalt  }
0x49: {  	_ =	shalt  }
0x4a: {  	_ =	shalt  }
0x4b: {  	_ =	shalt  }
0x4c: {  	_ =	shalt  }
0x4d: {  	_ =	shalt  }
0x4e: {  	_ =	shalt  }
0x4f: {  	_ =	shalt  }
0x50: {  	_ =	shalt  }
0x51: {  	_ =	shalt  }
0x52: {  	_ =	shalt  }
0x53: {  	_ =	shalt  }
0x54: {  	_ =	shalt  }
0x55: {  	_ =	shalt  }
0x56: {  	_ =	shalt  }
0x57: {  	_ =	shalt  }
0x58: {  	_ =	shalt  }
0x59: {  	_ =	shalt  }
0x5a: {  	_ =	shalt  }
0x5b: {  	_ =	shalt  }
0x5c: {  	_ =	shalt  }
0x5d: {  	_ =	shalt  }
0x5e: {  	_ =	shalt  }
0x5f: {  	_ =	shalt  }
0x60: {  	_ =	shalt  }
0x61: {  	_ =	shalt  }
0x62: {  	_ =	shalt  }
0x63: {  	_ =	shalt  }
0x64: {  	_ =	shalt  }
0x65: {  	_ =	shalt  }
0x66: {  	_ =	shalt  }
0x67: {  	_ =	shalt  }
0x68: {  	_ =	shalt  }
0x69: {  	_ =	shalt  }
0x6a: {  	_ =	shalt  }
0x6b: {  	_ =	shalt  }
0x6c: {  	_ =	shalt  }
0x6d: {  	_ =	shalt  }
0x6e: {  	_ =	shalt  }
0x6f: {  	_ =	shalt  }
0x70: {  	_ =	shalt  }
0x71: {  	_ =	shalt  }
0x72: {  	_ =	shalt  }
0x73: {  	_ =	shalt  }
0x74: {  	_ =	shalt  }
0x75: {  	_ =	shalt  }
0x76: {  	_ =	shalt  }
0x77: {  	_ =	shalt  }
0x78: {  	_ =	shalt  }
0x79: {  	_ =	shalt  }
0x7a: {  	_ =	shalt  }
0x7b: {  	_ =	shalt  }
0x7c: {  	_ =	shalt  }
0x7d: {  	_ =	shalt  }
0x7e: {  	_ =	shalt  }
0x7f: {  	_ =	shalt  }
0x80: {  	_ =	shalt  }
0x81: {  	_ =	shalt  }
0x82: {  	_ =	shalt  }
0x83: {  	_ =	shalt  }
0x84: {  	_ =	shalt  }
0x85: {  	_ =	shalt  }
0x86: {  	_ =	shalt  }
0x87: {  	_ =	shalt  }
.Lfunc_end0:
.L_simem_size_0:
called_computation_lowered:
.L_overlay_start_0:
0x88: {  	s2 =	sld [smem:$0x3FD9]  }
0x89: {  	s3 =	sld [smem:$0x3FFE];
	_ =	sdelay $0x1  }
0x8a: {  	s1 =	srdreg.scid  }
0x8b: {  	s0 =	sand.u32 $0x1, s1  }
0x8c: {  	s14 =	sshll.u32 s0, $0xA;
	s2 =	sadd.s32 s3, s2  }
0x8d: {  	s2 =	sadd.s32 s2, s14  }
0x8e: {  	[smem:$0x3FC6] =	sst s2  }
0x8f: {  	_ = 	snop  }
0x90: {  	s2 =	sld [smem:$0x3FD0];
	_ =	sdelay $0x2  }
0x91: {  	s4 =	simm.s32 $0xA;
	s5 =	simm.s32 $0x10;
	s15 =	sld [smem:$0x3FC9]  }
0x92: {  	[smem:s5], [sflag:s4] =	dma.local [hbm:s2], $0x1  }
0x93: {  	_ =	swait.eq [sflag:s4], $0x1  }
0x94: {  	[sflag:s4] =	ssyncset.done $0x0  }
0x95: {  	s16 =	sld [smem:$0x10];
	[sflag:s4] =	ssyncadd.s32 $0xFFFFFFFF  }
0x96: {  	s17 =	sld [smem:$0x11];
	(tm) =	ssettm $0x1  }
0x97: {  	s18 =	sld [smem:$0x3FFB];
	_ =	sdelay $0x3  }
0x98: {  	_ =	strace s18  }
0x99: {  	s5 =	sld [smem:$0x3FFC];
	_ =	sdelay $0x3  }
0x9a: {  	_ =	strace s5  }
0x9b: {  	s5 =	sld [smem:$0x3FFD];
	_ =	sdelay $0x3  }
0x9c: {  	_ =	strace s5  }
0x9d: {  	_ =	strace $0x8FFFFFFF  }
0x9e: {  	s19 =	sld [smem:$0x3FDB];
	_ =	sdelay $0x1  }
0x9f: {  	s6 =	simm.s32 $_scs_section_size  }
0xa0: {  	s7 =	simm.s32 $_size__tile_overlayer_lowered;
	s8 =	simm.s32 $_tile_overlayer_lowered  }
0xa1: {  	s22 =	simm.s32 $0x1BFF;
	s21 =	sshll.u32 s8, $0x1;
	s5 =	sadd.s32 s6, s19  }
0xa2: {  	s9 =	simm.s32 $0x0;
	s20 =	sshll.u32 s7, $0x1;
	s7 =	sadd.s32 s21, s5  }
0xa3: {  	[timem:s9], [sflag:s22] =	dma.local [hbm:s7], s20  }
0xa4: {  	_ =	swait.ge [sflag:s22], s20  }
0xa5: {  	s6 =	ssub.s32 $0x0, s20;
	[sflag:s22] =	ssyncset.done $0x0  }
0xa6: {  	[sflag:s22] =	ssyncadd.s32 s6;
	_ =	sdelay $0x1  }
0xa7: {  	s23 =	simm.s32 $0x1B8B  }
0xa8: {  	_ =	swait.ge [sflag:s23], $0x1  }
0xa9: {  	[sflag:s23] =	ssyncset.done $0x0  }
0xaa: {  	s25 =	simm.s32 $0x1B8E;
	s24 =	sld [smem:$0x3FFE];
	[sflag:s23] =	ssyncadd.s32 $0xFFFFFFFF  }
0xab: {  	s26 =	simm.s32 $execute0_lowered;
	[smem:$0x3FD2] =	sst s25  }
0xac: {  	s7 =	sshll.u32 s26, $0x1;
	_ =	strace $0x80000046;
	[dreg:$0x1] =	wrdreg $0xFFFFFFFF  }
0xad: {  	s28 =	simm.s32 $_size_execute0_lowered;
	s5 =	sadd.s32 s5, s7;
	[dreg:$0x0] =	wrdreg $0x0  }
0xae: {  	s7 =	sshll.u32 s28, $0x1;
	[dreg:$0x2] =	wrdreg s5  }
0xaf: {  	[dreg:$0x3] =	wrdreg s7  }
0xb0: {  	[dreg:$0x4] =	wrdreg $0xC0  }
0xb1: {  	_ =	task [dreg:s9], $0x5FFFF  }
0xb2: {  	[dreg:$0x1] =	wrdreg $0xFFFFFFFF  }
0xb3: {  	[dreg:$0x0] =	wrdreg $0x60  }
0xb4: {  	[dreg:$0x2] =	wrdreg s15  }
0xb5: {  	[dreg:$0x3] =	wrdreg s24  }
0xb6: {  	[dreg:$0x4] =	wrdreg s16  }
0xb7: {  	[dreg:$0x5] =	wrdreg s17  }
0xb8: {  	[dreg:$0x6] =	wrdreg $0x9  }
0xb9: {  	_ =	task.clear_ibuf [dreg:s9], $0x7FFFF;
	_ =	strace $0x90000046  }
0xba: {  	s29 =	simm.s32 $0x9;
	_ =	strace $0x80000048  }
0xbb: {  	_ =	swait.ge [sflag:s29], $0x1  }
0xbc: {  	[sflag:s29] =	ssyncadd.s32 $0xFFFFFFFF  }
0xbd: {  	_ =	strace $0x90000048  }
0xbe: {  	_ =	sfence  }
0xbf: {  	s30 =	sld [smem:$0x0];
	_ =	sdelay $0x2  }
0xc0: {  	s31 =	sshll.u32 s1, $0xD;
	s1 =	sshrl.u32 s1, $0x2  }
0xc1: {  	s3 =	sand.u32 $0x4000, s31;
	s1 =	sadd.s32 s1, s30  }
0xc2: {  	s0 =	sor.u32 s3, s0;
	s1 =	sshll.u32 s1, $0x11  }
0xc3: {  	s0 =	sor.u32 s1, s0  }
0xc4: {  	s0 =	sadd.s32 $0x8F2B, s0  }
0xc5: {  	[sflag:s0] =	ssyncadd.remote.s32 $0x1  }
0xc6: {  	_ =	sfence.sel $0xFFFF  }
0xc7: {  	[dreg:$0x0] =	wrdreg $0xFFFFFFFF;
	(pc) =	sbr.abs _section_cstart, $3  }
0xc8: {  	[dreg:$0x1] =	wrdreg $0xFFFFFFFF  }
0xc9: {  	_ =	task.clear_ibuf [dreg:s9], $0x2FFFF;
	_ =	strace $0x9FFFFFFF  }
0xca: {  	(tm) =	ssettm $0x7FFFFFFF  }
0xcb: {  	_ =	shalt  }
tec
execute0_lowered:
.L_overlay_start_1:
0x0: {  	(tag) =	ssettag $0x1  }
0x1: {  	s4 =	rddreg [dreg:$0x0]  }
0x2: {  	s5 =	rddreg [dreg:$0x1]  }
0x3: {  	s7 =	rddreg [dreg:$0x2]  }
0x4: {  	s9 =	rddreg [dreg:$0x3]  }
0x5: {  	s1 =	simm.s32 $0x0;
	s3 =	srdreg.scid;
	s0 =	stileid.u32  }
0x6: {  	[smem:$0x7FF] =	sst s1;
	s3 =	sand.u32 $0x1, s3;
	s6 =	sshll.u32 s0, $0x1  }
0x7: {  	s21 =	sadd.s32 $0xA00, s5;
	s24 =	sadd.s32 $0xA10, s5;
	s6 =	sor.u32 s3, s6  }
0x8: {  	_ =	strace $0x80000047;
	[dreg:$0x5] =	wrdreg s21;
	s11 =	sshll.u32 s6, $0x7  }
0x9: {  	[dreg:$0x7] =	wrdreg s24;
	s23 =	sshll.u32 s6, $0x9;
	s22 =	sadd.s32 s4, s11  }
0xa: {  	s8 =	ssub.s32 $0x2, s3;
	s25 =	sadd.s32 s7, s23;
	[dreg:$0x6] =	wrdreg s22  }
0xb: {  	s26 =	sor.u32 $0x4000, s23;
	s29 =	sadd.s32 s9, s23;
	[dreg:$0x8] =	wrdreg s25  }
0xc: {  	s10 =	sshrl.u32 s8, $0x1;
	s28 =	sadd.s32 s7, s26;
	[dreg:$0xa] =	wrdreg s29  }
0xd: {  	s10 =	ssub.s32 s8, s10;
	s30 =	sadd.s32 s9, s26;
	[dreg:$0x9] =	wrdreg s28  }
0xe: {  	s31 =	smax.u32 s10, $0x1;
	[dreg:$0xb] =	wrdreg s30  }
0xf: {  	s2 =	simm.s32 $0x1;
	s3 =	simm.s32 $0x0;
	[dreg:$0xc] =	wrdreg s31  }
.LBB2_1:
0x10: {  	[dreg:$0xd] =	wrdreg s3  }
0x11: {  	s0 =	rddreg [dreg:$0x6]  }
0x12: {  	[tilespmem:s1], [sflag:$0x1] =	stream.linear.gather [hbm4b:s0+s1], $0x400, $0x38;
	[tilespmem:$0x4420] =	vst v63  }
0x13: {  	_ =	swait.ge [sflag:s2], $0x400  }
0x14: {  	[sflag:s2] =	ssyncset.done $0x0  }
0x15: {  	s8 =	simm.s32 $0x400;
	s7 =	rddreg [dreg:$0x5];
	[sflag:s2] =	ssyncadd.s32 $0xFFFFFC00  }
0x16: {  	[tilespmem:s8], [sflag:$0x1] =	stream.linear.gather [hbm4b:s7+s1], $0x10, $0x38;
	[tilespmem:$0x4420] =	vst v63  }
0x17: {  	_ =	swait.ge [sflag:s2], $0x10  }
0x18: {  	[sflag:s2] =	ssyncset.done $0x0  }
0x19: {  	s10 =	simm.s32 $0x410;
	s9 =	rddreg [dreg:$0x7];
	[sflag:s2] =	ssyncadd.s32 $0xFFFFFFF0  }
0x1a: {  	[tilespmem:s10], [sflag:$0x1] =	stream.linear.gather [hbm4b:s9+s1], $0x10, $0x38;
	[tilespmem:$0x4420] =	vst v63  }
0x1b: {  	_ =	swait.ge [sflag:s2], $0x10  }
0x1c: {  	[sflag:s2] =	ssyncset.done $0x0  }
0x1d: {  	[sflag:s2] =	ssyncadd.s32 $0xFFFFFFF0  }
0x1e: {  	v0 =	vld [tilespmem:$0x400];
	_ =	sdelay $0x4  }
0x1f: {  	(v2sf) =	vpush v0, $0x0  }
0x20: {  	(v2sf) =	vpush v0, $0x1  }
0x21: {  	(v2sf) =	vpush v0, $0x2  }
0x22: {  	(v2sf) =	vpush v0, $0x3  }
0x23: {  	(v2sf) =	vpush v0, $0x4  }
0x24: {  	v1 =	vld [tilespmem:$0x410];
	(v2sf) =	vpush v0, $0x5  }
0x25: {  	(v2sf) =	vpush v0, $0x6  }
0x26: {  	(v2sf) =	vpush v0, $0x7  }
0x27: {  	(v2sf) =	vpush v0, $0x8  }
0x28: {  	(v2sf) =	vpush v0, $0x9  }
0x29: {  	(v2sf) =	vpush v1, $0x0;
	_ =	sdelay $0x1  }
0x2a: {  	(v2sf) =	vpush v1, $0x1;
	_ =	sdelay $0x1  }
0x2b: {  	(v2sf) =	vpush v1, $0x2  }
0x2c: {  	s21 =	spop (v2sf)  }
0x2d: {  	s22 =	spop (v2sf)  }
0x2e: {  	s23 =	spop (v2sf)  }
0x2f: {  	s25 =	spop (v2sf)  }
0x30: {  	s31 =	spop (v2sf)  }
0x31: {  	(v2sf) =	vpush v1, $0x3;
	s0 =	spop (v2sf)  }
0x32: {  	s20 =	spop (v2sf)  }
0x33: {  	(v2sf) =	vpush v1, $0x4;
	s1 =	spop (v2sf)  }
0x34: {  	s26 =	smul.f32 s21, s21;
	(v2sf) =	vpush v1, $0x5;
	s12 =	spop (v2sf)  }
0x35: {  	s29 =	smul.f32 s22, s22;
	(v2sf) =	vpush v1, $0x6;
	s19 =	spop (v2sf)  }
0x36: {  	s8 =	smul.f32 s31, s31;
	s13 =	spop (v2sf)  }
0x37: {  	s31 =	sadd.f32 s31, s31;
	s28 =	smul.f32 s13, s13  }
0x38: {  	s14 =	spop (v2sf);
	s13 =	sadd.f32 s13, s13  }
0x39: {  	s30 =	smul.f32 s14, s14;
	s14 =	sadd.f32 s14, s14  }
0x3a: {  	(v2sf) =	vpush v1, $0x7;
	s15 =	spop (v2sf);
	s9 =	sadd.f32 s28, s26  }
0x3b: {  	s28 =	smul.f32 s12, s12;
	s12 =	sadd.f32 s12, s12  }
0x3c: {  	(v2sf) =	vpush v1, $0x8;
	s11 =	smul.f32 s15, s15;
	s15 =	sadd.f32 s15, s15  }
0x3d: {  	s16 =	smul.f32 s23, s23;
	v14 =	vmov s13;
	s13 =	sadd.f32 s20, s20  }
0x3e: {  	s5 =	smul.f32 s25, s25;
	s10 =	sadd.f32 s30, s29  }
0x3f: {  	s30 =	smul.f32 s0, s0;
	s3 =	sadd.f32 s11, s16  }
0x40: {  	s17 =	spop (v2sf);
	s9 =	ssub.f32 $0.0e+00, s9  }
0x41: {  	s7 =	smul.f32 s17, s17;
	s17 =	sadd.f32 s17, s17  }
0x42: {  	s4 =	spop (v2sf);
	s10 =	ssub.f32 $0.0e+00, s10  }
0x43: {  	s6 =	spop (v2sf);
	s18 =	smul.f32 s4, s4  }
0x44: {  	s4 =	sadd.f32 s4, s4;
	s24 =	spop (v2sf)  }
0x45: {  	s11 =	smul.f32 s6, s6;
	s5 =	sadd.f32 s7, s5  }
0x46: {  	s7 =	smul.f32 s20, s20;
	s6 =	sadd.f32 s6, s6  }
0x47: {  	s8 =	sadd.f32 s18, s8;
	s29 =	smul.f32 s24, s24  }
0x48: {  	s18 =	smul.f32 s1, s1;
	s1 =	sadd.f32 s1, s1  }
0x49: {  	s2 =	spop (v2sf);
	s30 =	sadd.f32 s11, s30  }
0x4a: {  	s16 =	smul.f32 s2, s2;
	s29 =	sadd.f32 s29, s7  }
0x4b: {  	s11 =	spop (v2sf);
	s7 =	sadd.f32 s0, s0  }
0x4c: {  	s26 =	smul.f32 s11, s11;
	s18 =	sadd.f32 s16, s18  }
0x4d: {  	(v2sf) =	vpush v1, $0x9;
	s16 =	sadd.f32 s21, s21  }
0x4e: {  	s26 =	sadd.f32 s26, s28  }
0x4f: {  	s28 =	sadd.f32 s23, s23  }
0x50: {  	s23 =	sadd.f32 s25, s25  }
0x51: {  	s25 =	simm.s32 $0x0;
	[dreg:$0xe] =	wrdreg s18  }
0x52: {  	s18 =	sadd.f32 s22, s22;
	s21 =	sand.u32 $0x60, s25;
	s22 =	sand.u32 $0x7FFFFC00, s25  }
0x53: {  	s0 =	ssub.f32 $0.0e+00, s3;
	s25 =	sshrl.u32 s22, $0x2;
	s3 =	sor.u32 $0x10, s21  }
0x54: {  	v20 =	vmov s15;
	s15 =	sadd.f32 s24, s24;
	v46 =	vmov s16;
	s16 =	sor.u32 s3, s25  }
0x55: {  	v25 =	vmov s31;
	v17 =	vmov s14;
	v33 =	vmov s12;
	s5 =	ssub.f32 $0.0e+00, s5;
	v15 =	vld [tilespmem:s16+$0x0]  }
0x56: {  	v58 =	vmov s13;
	v43 =	vmov s9;
	v44 =	vmov s10;
	s12 =	sadd.f32 s2, s2  }
0x57: {  	v23 =	vmov s17;
	v26 =	vmov s4;
	v56 =	vmov s6;
	s11 =	sadd.f32 s11, s11  }
0x58: {  	v32 =	vmov s1;
	v13 =	vmov s15;
	v16 =	vmov s18;
	s18 =	sadd.f32 s19, s19  }
0x59: {  	v47 =	vmov s5;
	v57 =	vmov s12;
	s14 =	ssub.f32 $0.0e+00, s30;
	v45 =	vmov s0  }
0x5a: {  	v28 =	vmov s7;
	v19 =	vmov s28;
	s28 =	ssub.f32 $0.0e+00, s8;
	v51 =	vmov s18;
	[tilespmem:$0x1FF10] =	vst v15  }
0x5b: {  	v36 =	vmov s11;
	v34 =	vmov s14;
	s17 =	rddreg [dreg:$0xe];
	v0 =	vmul.f32 v15, v51;
	v63 =	vld [tilespmem:s16+$0x80]  }
0x5c: {  	v22 =	vmov s23;
	s1 =	ssub.f32 $0.0e+00, s17;
	s8 =	spop (v2sf);
	v2 =	vmul.f32 v15, v33;
	v4 =	vmul.f32 v15, v32  }
0x5d: {  	v41 =	vmov s28;
	s9 =	sadd.f32 s8, s8;
	v6 =	vmul.f32 v15, v28;
	v7 =	vmul.f32 v15, v58  }
0x5e: {  	s18 =	ssub.f32 $0.0e+00, s26;
	v21 =	vmov s1;
	v8 =	vmul.f32 v15, v22;
	v10 =	vmul.f32 v15, v46  }
0x5f: {  	v12 =	vmul.f32 v15, v16;
	v30 =	vmul.f32 v15, v19;
	v35 =	vmov s9;
	s16 =	ssub.f32 $0.0e+00, s29  }
0x60: {  	v24 =	vmov s18;
	v1 =	vmul.f32 v63, v35;
	v11 =	vmul.f32 v63, v14  }
0x61: {  	v27 =	vmov s16;
	v29 =	vmul.f32 v63, v17;
	v31 =	vmul.f32 v63, v20  }
0x62: {  	v3 =	vmul.f32 v63, v36;
	v9 =	vmul.f32 v63, v23;
	v10 =	vadd.f32 v11, v10  }
0x63: {  	s20 =	smul.f32 s19, s19;
	v5 =	vmul.f32 v63, v57;
	v11 =	vadd.f32 v29, v12;
	v29 =	vadd.f32 v31, v30  }
0x64: {  	s23 =	smul.f32 s8, s8;
	v12 =	vmul.f32 v15, v25;
	v8 =	vadd.f32 v9, v8;
	v40 =	vadd.f32 v10, v43  }
0x65: {  	v9 =	vmul.f32 v63, v26;
	v4 =	vadd.f32 v5, v4;
	v18 =	vadd.f32 v11, v44  }
0x66: {  	s0 =	sadd.f32 s23, s20;
	v2 =	vadd.f32 v3, v2;
	v10 =	vmul.f32 v63, v56;
	v15 =	vadd.f32 v29, v45;
	[tilespmem:$0x1FF60] =	vst v40  }
0x67: {  	s24 =	sor.u32 s21, s25;
	v0 =	vadd.f32 v1, v0;
	v9 =	vadd.f32 v9, v12;
	v11 =	vmul.f32 v63, v13;
	[tilespmem:$0x1FF70] =	vst v18  }
0x68: {  	s0 =	ssub.f32 $0.0e+00, s0;
	v37 =	vadd.f32 v8, v47;
	v6 =	vadd.f32 v10, v6;
	v8 =	vmax.f32 v40, v18;
	v60 =	vld [tilespmem:s24+$0x0];
	[tilespmem:$0x1FF80] =	vst v15  }
0x69: {  	v9 =	vadd.f32 v9, v41;
	v7 =	vadd.f32 v11, v7;
	v8 =	vmax.f32 v8, v15;
	v59 =	vld [tilespmem:s24+$0x80]  }
0x6a: {  	v29 =	vmov s0;
	v10 =	vadd.f32 v6, v34;
	v5 =	vmax.f32 v8, v37  }
0x6b: {  	v38 =	vadd.f32 v0, v29;
	v30 =	vmovc v18;
	v31 =	vadd.f32 v7, v27;
	v3 =	vmax.f32 v5, v9  }
0x6c: {  	v39 =	vmovc v15;
	v18 =	vadd.f32 v2, v24;
	v15 =	vadd.f32 v4, v21;
	v1 =	vmax.f32 v3, v10  }
0x6d: {  	v1 =	vmax.f32 v1, v31;
	v2 =	vmul.f32 v60, v46;
	v3 =	vmul.f32 v60, v16  }
0x6e: {  	v0 =	vmax.f32 v1, v15;
	v5 =	vmul.f32 v60, v19;
	v1 =	vmul.f32 v59, v14  }
0x6f: {  	v6 =	vmul.f32 v60, v22;
	v0 =	vmax.f32 v0, v18;
	v4 =	vmul.f32 v59, v17  }
0x70: {  	v7 =	vmul.f32 v59, v23;
	v61 =	vmax.f32 v0, v38;
	v1 =	vadd.f32 v1, v2  }
0x71: {  	v11 =	vmovc v9;
	v0 =	vmul.f32 v59, v20;
	v2 =	vsub.f32 v40, v61;
	v3 =	vadd.f32 v4, v3  }
0x72: {  	[tilespmem:$0x1FFA0] =	vst v9;
	v9 =	vmul.f32 v59, v26;
	v4 =	vsub.f32 v30, v61;
	v8 =	vsub.f32 v39, v61  }
0x73: {  	v0 =	vadd.f32 v0, v5;
	v5 =	vmul.f32 v60, v25;
	v2 =	vmul.f32 $1.442695020e+00, v2  }
0x74: {  	v12 =	vmovc v10;
	[tilespmem:$0x1FFB0] =	vst v10;
	v4 =	vmul.f32 $1.442695020e+00, v4;
	v10 =	vadd.f32 v1, v43;
	v1 =	vmul.f32 $1.442695020e+00, v8  }
0x75: {  	v8 =	vadd.f32 v3, v44;
	v3 =	vadd.f32 v7, v6;
	(erf) = vpow2.f32 v2  }
0x76: {  	v6 =	vsub.f32 v11, v61;
	v2 =	vsub.f32 v37, v61;
	(erf) = vpow2.f32 v4  }
0x77: {  	v11 =	vadd.f32 v0, v45;
	v0 =	vmul.f32 v60, v58;
	v5 =	vadd.f32 v9, v5  }
0x78: {  	v9 =	vsub.f32 v15, v61;
	v2 =	vmul.f32 $1.442695020e+00, v2;
	(erf) = vpow2.f32 v1  }
0x79: {  	v6 =	vmul.f32 $1.442695020e+00, v6;
	v30 =	vadd.f32 v3, v47;
	v3 =	vmul.f32 v59, v13  }
0x7a: {  	v7 =	vmax.f32 v10, v8;
	(erf) = vpow2.f32 v2;
	v2 =	vsub.f32 v12, v61  }
0x7b: {  	[tilespmem:$0x1FF30] =	vst v8;
	v4 =	vmul.f32 v60, v28;
	v9 =	vmul.f32 $1.442695020e+00, v9;
	v12 =	vmovc v8;
	v8 =	vsub.f32 v31, v61  }
0x7c: {  	(erf) = vpow2.f32 v6;
	v2 =	vmul.f32 $1.442695020e+00, v2  }
0x7d: {  	v42 =	vmov v10;
	v1 =	vmul.f32 v59, v56;
	v8 =	vmul.f32 $1.442695020e+00, v8  }
0x7e: {  	[tilespmem:$0x1FF20] =	vst v10;
	v0 =	vadd.f32 v3, v0;
	v3 =	vmul.f32 v60, v33;
	v10 =	vpop (erf);
	(erf) = vpow2.f32 v2  }
0x7f: {  	[tilespmem:$0x1FFC0] =	vst v31;
	v31 =	vadd.f32 v5, v41;
	v2 =	vmax.f32 v7, v11;
	v7 =	vsub.f32 v18, v61;
	v5 =	vpop (erf)  }
0x80: {  	v1 =	vadd.f32 v1, v4;
	v4 =	vmul.f32 v60, v32;
	v5 =	vadd.f32 v5, v10  }
0x81: {  	[tilespmem:$0x1FE90] =	vst v47;
	v50 =	vadd.f32 v0, v27;
	(erf) = vpow2.f32 v8;
	v8 =	vpop (erf);
	v7 =	vmul.f32 $1.442695020e+00, v7  }
0x82: {  	v40 =	vmovc v47;
	v6 =	vmul.f32 v59, v57;
	v47 =	vadd.f32 v1, v34;
	v5 =	vadd.f32 v5, v8  }
0x83: {  	v2 =	vmax.f32 v2, v30;
	v10 =	vsub.f32 v38, v61;
	(erf) = vpow2.f32 v9;
	v8 =	vpop (erf)  }
0x84: {  	v1 =	vmul.f32 v59, v36;
	v2 =	vmax.f32 v2, v31;
	v5 =	vadd.f32 v5, v8  }
0x85: {  	v4 =	vadd.f32 v6, v4;
	(erf) = vpow2.f32 v7;
	v8 =	vmul.f32 $1.442695020e+00, v10;
	v7 =	vpop (erf)  }
0x86: {  	v6 =	vmul.f32 v60, v51;
	v0 =	vadd.f32 v1, v3;
	v5 =	vadd.f32 v5, v7  }
0x87: {  	v9 =	vmul.f32 v59, v35;
	v1 =	vmax.f32 v2, v47;
	(erf) = vpow2.f32 v8;
	v2 =	vpop (erf)  }
0x88: {  	v2 =	vadd.f32 v5, v2  }
0x89: {  	[tilespmem:$0x1FFD0] =	vst v15;
	v15 =	vadd.f32 v4, v21;
	v3 =	vadd.f32 v9, v6  }
0x8a: {  	v48 =	vadd.f32 v0, v24;
	v0 =	vmax.f32 v1, v50;
	v1 =	vpop (erf)  }
0x8b: {  	[tilespmem:$0x1FFE0] =	vst v18;
	v0 =	vmax.f32 v0, v15;
	v18 =	vadd.f32 v3, v29;
	v1 =	vadd.f32 v2, v1  }
0x8c: {  	v0 =	vmax.f32 v0, v48;
	v2 =	vpop (erf)  }
0x8d: {  	v62 =	vmax.f32 v0, v18;
	v0 =	vadd.f32 v1, v2  }
0x8e: {  	v1 =	vsub.f32 v42, v62;
	v2 =	vpop (erf)  }
0x8f: {  	v3 =	vsub.f32 v12, v62;
	v0 =	vadd.f32 v0, v2  }
0x90: {  	v1 =	vmul.f32 $1.442695020e+00, v1;
	v4 =	vpop (erf)  }
0x91: {  	v5 =	vmul.f32 $1.442695020e+00, v3;
	v2 =	vsub.f32 v11, v62;
	v3 =	vadd.f32 v0, v4  }
0x92: {  	(erf) = vpow2.f32 v1;
	v0 =	vsub.f32 v30, v62  }
0x93: {  	v1 =	vmul.f32 $1.442695020e+00, v2;
	(erf) = vpow2.f32 v5;
	v4 =	vand.u32 $0x7FFFFF, v3  }
0x94: {  	v2 =	vsub.f32 v31, v62;
	v0 =	vmul.f32 $1.442695020e+00, v0;
	v4 =	vor.u32 $0x3F800000, v4  }
0x95: {  	v5 =	vsub.f32 v47, v62;
	(erf) = vpow2.f32 v1;
	v1 =	vadd.f32 $1.000000000e+00, v4  }
0x96: {  	v2 =	vmul.f32 $1.442695020e+00, v2;
	(erf) = vpow2.f32 v0  }
0x97: {  	(erf) = vrcp.f32 v1;
	v1 =	vmul.f32 $1.442695020e+00, v5;
	_ =	sdelay $0x1  }
0x98: {  	[tilespmem:$0x1FF90] =	vst v37;
	v0 =	vsub.f32 v50, v62;
	(erf) = vpow2.f32 v2  }
0x99: {  	[tilespmem:$0x1FF50] =	vst v38  }
0x9a: {  	[tilespmem:$0x1FE40] =	vst v43;
	v0 =	vmul.f32 $1.442695020e+00, v0;
	v2 =	vsub.f32 v15, v62;
	(erf) = vpow2.f32 v1;
	v1 =	vpop (erf)  }
0x9b: {  	[tilespmem:$0x1FE50] =	vst v44;
	v5 =	vsub.f32 v48, v62;
	v6 =	vpop (erf)  }
0x9c: {  	s25 =	simm.s32 $0x100;
	s26 =	simm.s32 $0x20;
	[tilespmem:$0x1FE60] =	vst v45;
	v2 =	vmul.f32 $1.442695020e+00, v2;
	(erf) = vpow2.f32 v0;
	v0 =	vadd.f32 v6, v1  }
0x9d: {  	s19 =	sand.u32 $0x7FFFFC00, s25;
	s28 =	sand.u32 $0x60, s26;
	[tilespmem:$0x1FEA0] =	vst v41;
	v1 =	vpop (erf)  }
0x9e: {  	s29 =	sshrl.u32 s19, $0x2;
	s20 =	sor.u32 $0x10, s28;
	[tilespmem:$0x1FF40] =	vst v11;
	v5 =	vmul.f32 $1.442695020e+00, v5;
	(erf) = vpow2.f32 v2;
	v0 =	vadd.f32 v0, v1  }
0x9f: {  	s30 =	sor.u32 s20, s29;
	[tilespmem:$0x1FF00] =	vst v3;
	v1 =	vpop (erf)  }
0xa0: {  	v2 =	vld [tilespmem:s30+$0x80];
	(erf) = vpow2.f32 v5;
	v9 =	vpop (erf);
	v0 =	vadd.f32 v0, v1  }
0xa1: {  	v1 =	vpop (erf)  }
0xa2: {  	v0 =	vadd.f32 v0, v1  }
0xa3: {  	v5 =	vpop (erf)  }
0xa4: {  	v1 =	vld [tilespmem:s30+$0x0];
	v0 =	vadd.f32 v0, v5  }
0xa5: {  	v7 =	vmul.f32 v2, v23;
	v6 =	vpop (erf)  }
0xa6: {  	v11 =	vmul.f32 v2, v14;
	v12 =	vmul.f32 v2, v17;
	v0 =	vadd.f32 v0, v6  }
0xa7: {  	v52 =	vmul.f32 v2, v20;
	v53 =	vmul.f32 v2, v26;
	v5 =	vsub.f32 v18, v62;
	v6 =	vpop (erf)  }
0xa8: {  	v54 =	vmul.f32 v2, v56;
	v55 =	vmul.f32 v2, v13;
	v0 =	vadd.f32 v0, v6  }
0xa9: {  	v5 =	vmul.f32 $1.442695020e+00, v5;
	v8 =	vpop (erf);
	v10 =	vmul.f32 v1, v46  }
0xaa: {  	v6 =	vmul.f32 v1, v22;
	v0 =	vadd.f32 v0, v8;
	v8 =	vmul.f32 v1, v16  }
0xab: {  	(erf) = vpow2.f32 v5;
	v10 =	vadd.f32 v11, v10;
	v11 =	vmul.f32 v1, v19  }
0xac: {  	v6 =	vadd.f32 v7, v6;
	v8 =	vadd.f32 v12, v8;
	v12 =	vmul.f32 v1, v25  }
0xad: {  	v39 =	vmovc v45;
	v5 =	vadd.f32 v52, v11;
	v45 =	vadd.f32 v10, v43;
	v10 =	vmul.f32 v1, v28  }
0xae: {  	v11 =	vmul.f32 v1, v32;
	v42 =	vadd.f32 v6, v40;
	v7 =	vadd.f32 v53, v12  }
0xaf: {  	v10 =	vadd.f32 v54, v10;
	v39 =	vadd.f32 v5, v39;
	v12 =	vmul.f32 v2, v57  }
0xb0: {  	v44 =	vadd.f32 v8, v44;
	v8 =	vmul.f32 v1, v58;
	v40 =	vadd.f32 v7, v41  }
0xb1: {  	v41 =	vadd.f32 v10, v34;
	v7 =	vmul.f32 v1, v33;
	v10 =	vmul.f32 v2, v36  }
0xb2: {  	v5 =	vadd.f32 v55, v8;
	v8 =	vadd.f32 v12, v11;
	v11 =	vmax.f32 v45, v44  }
0xb3: {  	v6 =	vmax.f32 v11, v39;
	v7 =	vadd.f32 v10, v7  }
0xb4: {  	v12 =	vmul.f32 v2, v35;
	v11 =	vmul.f32 v1, v51;
	v6 =	vmax.f32 v6, v42  }
0xb5: {  	v43 =	vadd.f32 v5, v27;
	v5 =	vmax.f32 v6, v40  }
0xb6: {  	v37 =	vadd.f32 v8, v21;
	v6 =	vadd.f32 v12, v11;
	v5 =	vmax.f32 v5, v41  }
0xb7: {  	v38 =	vadd.f32 v7, v24;
	v5 =	vmax.f32 v5, v43;
	v7 =	vpop (erf)  }
0xb8: {  	v49 =	vadd.f32 v6, v29;
	v5 =	vmax.f32 v5, v37;
	v0 =	vadd.f32 v0, v7  }
0xb9: {  	v5 =	vmax.f32 v5, v38  }
0xba: {  	v3 =	vmov v51;
	v51 =	vmax.f32 v5, v49;
	v5 =	vand.u32 $0x7FFFFF, v0  }
0xbb: {  	v6 =	vsub.f32 v45, v51;
	v5 =	vor.u32 $0x3F800000, v5  }
0xbc: {  	v8 =	vsub.f32 v44, v51;
	v7 =	vadd.f32 $1.000000000e+00, v5  }
0xbd: {  	v11 =	vsub.f32 v39, v51;
	v10 =	vmul.f32 $1.442695020e+00, v6  }
0xbe: {  	s31 =	sor.u32 s28, s29;
	[tilespmem:$0x1FFF0] =	vst v0;
	v8 =	vmul.f32 $1.442695020e+00, v8;
	(erf) = vrcp.f32 v7  }
0xbf: {  	v12 =	vsub.f32 v42, v51;
	v7 =	vld [tilespmem:s31+$0x80];
	(erf) = vpow2.f32 v10;
	v10 =	vmul.f32 $1.442695020e+00, v11  }
0xc0: {  	(erf) = vpow2.f32 v8  }
0xc1: {  	v6 =	vld [tilespmem:s31+$0x0];
	v8 =	vmul.f32 $1.442695020e+00, v12;
	(erf) = vpow2.f32 v10;
	v10 =	vsub.f32 v40, v51  }
0xc2: {  	v11 =	vsub.f32 v41, v51  }
0xc3: {  	(erf) = vpow2.f32 v8;
	v8 =	vmul.f32 $1.442695020e+00, v10  }
0xc4: {  	[tilespmem:$0x1FD30] =	vst v14;
	v10 =	vmul.f32 $1.442695020e+00, v11;
	v12 =	vmul.f32 v7, v14  }
0xc5: {  	[tilespmem:$0x1FD50] =	vst v17;
	v14 =	vmovc v47;
	v47 =	vmul.f32 v7, v17;
	v17 =	vmov v50;
	v50 =	vmul.f32 v7, v20  }
0xc6: {  	v52 =	vsub.f32 v43, v51;
	[tilespmem:$0x1FD20] =	vst v46;
	v11 =	vmul.f32 v6, v46;
	v46 =	vmul.f32 v6, v16  }
0xc7: {  	v54 =	vsub.f32 v37, v51;
	[tilespmem:$0x1FD40] =	vst v16;
	v16 =	vmovc v48;
	v48 =	vmul.f32 v6, v19;
	(erf) = vpow2.f32 v8  }
0xc8: {  	v11 =	vadd.f32 v12, v11;
	(erf) = vpow2.f32 v10;
	v10 =	vmul.f32 $1.442695020e+00, v52;
	v8 =	vpop (erf)  }
0xc9: {  	[tilespmem:$0x1FD60] =	vst v19;
	v12 =	vadd.f32 v47, v46;
	v47 =	vadd.f32 v50, v48;
	v50 =	vpop (erf)  }
0xca: {  	[tilespmem:$0x1FD70] =	vst v20;
	v55 =	vpop (erf);
	(erf) = vpow2.f32 v10;
	v10 =	vmul.f32 $1.442695020e+00, v54  }
0xcb: {  	v4 =	vadd.f32 $-1.000000000e+00, v4;
	[tilespmem:$0x1FDE0] =	vst v58  }
0xcc: {  	[tilespmem:$0x1FDF0] =	vst v13;
	v19 =	vmov v37;
	v37 =	vadd.f32 v55, v50;
	v55 =	vpop (erf);
	(erf) = vpow2.f32 v10  }
0xcd: {  	v20 =	vmovc v38;
	v10 =	vsub.f32 v38, v51;
	v38 =	vmul.f32 v6, v58;
	v58 =	vmul.f32 v7, v13;
	v13 =	vld [tilespmem:$0x1FE40];
	_ =	sdelay $0x1  }
0xce: {  	v9 =	vmul.f32 v9, v4  }
0xcf: {  	v53 =	vmul.f32 v7, v26;
	v46 =	vmul.f32 v6, v22  }
0xd0: {  	v48 =	vmul.f32 v7, v23;
	v52 =	vmul.f32 v6, v25  }
0xd1: {  	[tilespmem:$0x1FDA0] =	vst v25;
	v25 =	vadd.f32 v11, v13;
	v11 =	vld [tilespmem:$0x1FE50]  }
0xd2: {  	v0 =	vmul.f32 v9, v9;
	v4 =	vadd.f32 v48, v46;
	v50 =	vadd.f32 v53, v52  }
0xd3: {  	v53 =	vsub.f32 v49, v51;
	v46 =	vadd.f32 v37, v55;
	v37 =	vmul.f32 v7, v56;
	v13 =	vld [tilespmem:$0x1FE90]  }
0xd4: {  	[tilespmem:$0x1FE20] =	vst v33;
	v33 =	vmul.f32 v6, v33;
	v48 =	vmul.f32 v6, v28  }
0xd5: {  	v53 =	vmul.f32 $1.442695020e+00, v53;
	v10 =	vmul.f32 $1.442695020e+00, v10;
	v55 =	vadd.f32 v58, v38  }
0xd6: {  	[tilespmem:$0x1FD80] =	vst v22;
	v38 =	vmul.f32 v7, v57;
	v58 =	vmul.f32 v7, v35;
	v22 =	vadd.f32 v12, v11;
	v12 =	vld [tilespmem:$0x1FE60]  }
0xd7: {  	v54 =	vadd.f32 v37, v48;
	v48 =	vmul.f32 v6, v32;
	v55 =	vadd.f32 v55, v27;
	v37 =	vpop (erf)  }
0xd8: {  	v46 =	vadd.f32 v46, v37;
	v11 =	vmul.f32 $1.111111120e-01, v0;
	v52 =	vadd.f32 v4, v13;
	v13 =	vld [tilespmem:$0x1FEA0]  }
0xd9: {  	[tilespmem:$0x1FE00] =	vst v32;
	(erf) = vpow2.f32 v10;
	v10 =	vadd.f32 v38, v48;
	v54 =	vadd.f32 v54, v34;
	v32 =	vpop (erf)  }
0xda: {  	[tilespmem:$0x1FD90] =	vst v23;
	v37 =	vmul.f32 v7, v36;
	v46 =	vadd.f32 v46, v32;
	v11 =	vadd.f32 $1.428571490e-01, v11  }
0xdb: {  	[tilespmem:$0x1FE10] =	vst v57;
	(erf) = vpow2.f32 v53;
	v38 =	vpop (erf);
	v57 =	vadd.f32 v10, v21;
	v23 =	vadd.f32 v47, v12  }
0xdc: {  	v46 =	vadd.f32 v46, v38;
	v4 =	vmax.f32 v25, v22;
	v11 =	vmul.f32 v11, v0  }
0xdd: {  	[tilespmem:$0x1FE70] =	vst v3;
	v12 =	vmul.f32 v6, v3;
	v53 =	vadd.f32 v50, v13;
	v3 =	vld [tilespmem:$0x1FF00];
	v4 =	vmax.f32 v4, v23  }
0xde: {  	[tilespmem:$0x1FDD0] =	vst v56;
	v56 =	vadd.f32 v37, v33;
	v32 =	vpop (erf);
	v11 =	vadd.f32 $2.000000030e-01, v11;
	v4 =	vmax.f32 v4, v52  }
0xdf: {  	v50 =	vadd.f32 v46, v32;
	v12 =	vadd.f32 v58, v12;
	v4 =	vmax.f32 v4, v53  }
0xe0: {  	v10 =	vpop (erf);
	v56 =	vadd.f32 v56, v24;
	v11 =	vmul.f32 v11, v0;
	v4 =	vmax.f32 v4, v54  }
0xe1: {  	v10 =	vadd.f32 v50, v10;
	v58 =	vadd.f32 v12, v29;
	v4 =	vmax.f32 v4, v55  }
0xe2: {  	v11 =	vadd.f32 $3.333333430e-01, v11;
	v3 =	vshrl.u32 v3, $0x17;
	v4 =	vmax.f32 v4, v57  }
0xe3: {  	v9 =	vadd.f32 v9, v9;
	v12 =	vpop (erf);
	v3 =	vadd.s32 $0xFFFFFF81, v3;
	v4 =	vmax.f32 v4, v56  }
0xe4: {  	[tilespmem:$0x1FED0] =	vst v21;
	v10 =	vadd.f32 v10, v12;
	v0 =	vmul.f32 v11, v0;
	v21 =	vmax.f32 v4, v58  }
0xe5: {  	[tilespmem:$0x1FDB0] =	vst v26;
	v12 =	vmul.f32 v59, v59;
	v4 =	vmul.f32 v60, v60;
	v33 =	vsub.f32 v25, v21  }
0xe6: {  	[tilespmem:$0x1FEB0] =	vst v34;
	v32 =	vld [tilespmem:$0x1FF20];
	v34 =	vpop (erf);
	v3 =	vcvt.s32.f32 v3;
	v0 =	vadd.f32 $1.000000000e+00, v0;
	v11 =	vsub.f32 v22, v21  }
0xe7: {  	[tilespmem:$0x1FDC0] =	vst v28;
	v12 =	vadd.f32 v12, v4;
	v4 =	vadd.f32 v10, v34;
	v10 =	vmul.f32 $1.442695020e+00, v33  }
0xe8: {  	[tilespmem:$0x1FE30] =	vst v36;
	v3 =	vmul.f32 $6.931471820e-01, v3;
	v11 =	vmul.f32 $1.442695020e+00, v11  }
0xe9: {  	[tilespmem:$0x1FE80] =	vst v35;
	v35 =	vsub.f32 v23, v21;
	v0 =	vmul.f32 v0, v9;
	(erf) = vpow2.f32 v10  }
0xea: {  	[tilespmem:$0x1FEC0] =	vst v27;
	v10 =	vsub.f32 v52, v21;
	(erf) = vpow2.f32 v11  }
0xeb: {  	[tilespmem:$0x1FEE0] =	vst v24;
	v0 =	vadd.f32 v0, v3;
	v3 =	vsub.f32 v32, v12;
	v11 =	vmul.f32 $1.442695020e+00, v35  }
0xec: {  	s21 =	sor.u32 s21, s22;
	[tilespmem:$0x1FEF0] =	vst v29;
	v33 =	vld [tilespmem:$0x1FF30];
	v9 =	vmul.f32 $1.442695020e+00, v10  }
0xed: {  	v10 =	vand.u32 $0x7FFFFF, v4;
	(erf) = vpow2.f32 v11;
	v11 =	vld [tilespmem:$0x1FF10];
	[tilespmem:s21+$0x2420] =	vst v3  }
0xee: {  	(erf) = vpow2.f32 v9;
	v9 =	vor.u32 $0x3F800000, v10;
	v10 =	vsub.f32 v53, v21;
	v34 =	vld [tilespmem:$0x1FF40]  }
0xef: {  	v36 =	vadd.f32 $1.000000000e+00, v9  }
0xf0: {  	v10 =	vmul.f32 $1.442695020e+00, v10  }
0xf1: {  	v47 =	vsub.f32 v31, v12;
	(erf) = vrcp.f32 v36  }
0xf2: {  	v7 =	vmul.f32 v7, v7;
	(erf) = vpow2.f32 v10;
	v10 =	vsub.f32 v33, v12;
	v38 =	vpop (erf)  }
0xf3: {  	v6 =	vmul.f32 v6, v6;
	[tilespmem:s21+$0x2620] =	vst v47;
	v3 =	vsub.f32 v34, v12;
	v46 =	vpop (erf)  }
0xf4: {  	[tilespmem:s21+$0x24A0] =	vst v10;
	v10 =	vsub.f32 v30, v12;
	v59 =	vadd.f32 v46, v38  }
0xf5: {  	[tilespmem:s21+$0x2520] =	vst v3;
	v3 =	vadd.f32 v7, v6;
	v6 =	vsub.f32 v14, v12  }
0xf6: {  	[tilespmem:s21+$0x25A0] =	vst v10;
	v7 =	vpop (erf);
	v10 =	vsub.f32 v17, v12  }
0xf7: {  	v7 =	vadd.f32 v59, v7;
	[tilespmem:s21+$0x26A0] =	vst v6;
	v6 =	vsub.f32 v15, v12  }
0xf8: {  	v48 =	vpop (erf);
	[tilespmem:s21+$0x2720] =	vst v10;
	v10 =	vsub.f32 v16, v12  }
0xf9: {  	[tilespmem:s21+$0x27A0] =	vst v6;
	v6 =	vadd.f32 v7, v48;
	v7 =	vsub.f32 v18, v12  }
0xfa: {  	[tilespmem:s21+$0x3420] =	vst v10  }
0xfb: {  	v50 =	vld [tilespmem:$0x1FF50];
	[tilespmem:s21+$0x34A0] =	vst v7  }
0xfc: {  	v2 =	vmul.f32 v2, v2;
	v13 =	vld [tilespmem:$0x1FF60]  }
0xfd: {  	v5 =	vadd.f32 $-1.000000000e+00, v5  }
0xfe: {  	v1 =	vmul.f32 v1, v1;
	v0 =	vadd.f32 v0, v61  }
0xff: {  	v5 =	vmul.f32 v8, v5;
	v8 =	vpop (erf)  }
0x100: {  	v60 =	vadd.f32 v2, v1;
	v2 =	vpop (erf);
	v1 =	vsub.f32 v50, v0  }
0x101: {  	s22 =	sor.u32 s22, s3;
	v6 =	vadd.f32 v6, v2;
	v2 =	vsub.f32 v13, v0  }
0x102: {  	[tilespmem:s22+$0x14A0] =	vst v1  }
0x103: {  	v26 =	vld [tilespmem:$0x1FF70];
	[tilespmem:s22+$0x420] =	vst v2  }
0x104: {  	v28 =	vld [tilespmem:$0x1FF80];
	_ =	sdelay $0x3  }
0x105: {  	v1 =	vsub.f32 v26, v0  }
0x106: {  	v2 =	vsub.f32 v28, v0  }
0x107: {  	[tilespmem:s22+$0x4A0] =	vst v1  }
0x108: {  	v29 =	vld [tilespmem:$0x1FF90];
	[tilespmem:s22+$0x520] =	vst v2  }
0x109: {  	v24 =	vld [tilespmem:$0x1FFA0];
	_ =	sdelay $0x2  }
0x10a: {  	v37 =	vmul.f32 v63, v63;
	v11 =	vmul.f32 v11, v11  }
0x10b: {  	v61 =	vsub.f32 v29, v0  }
0x10c: {  	v11 =	vadd.f32 v37, v11;
	v37 =	vsub.f32 v24, v0  }
0x10d: {  	v7 =	vmul.f32 v5, v5;
	[tilespmem:s22+$0x5A0] =	vst v61  }
0x10e: {  	v27 =	vld [tilespmem:$0x1FFB0];
	[tilespmem:s22+$0x620] =	vst v37  }
0x10f: {  	v10 =	vsub.f32 v54, v21;
	v12 =	vmul.f32 $1.111111120e-01, v7;
	v1 =	vsub.f32 v13, v11;
	v13 =	vld [tilespmem:$0x1FFC0]  }
0x110: {  	v36 =	vsub.f32 v55, v21  }
0x111: {  	v9 =	vadd.f32 $-1.000000000e+00, v9;
	v10 =	vmul.f32 $1.442695020e+00, v10;
	v12 =	vadd.f32 $1.428571490e-01, v12  }
0x112: {  	v38 =	vsub.f32 v57, v21;
	v2 =	vmul.f32 $1.442695020e+00, v36;
	v47 =	vsub.f32 v29, v11  }
0x113: {  	(erf) = vpow2.f32 v10;
	v12 =	vmul.f32 v12, v7;
	[tilespmem:s22+$0x2420] =	vst v1;
	v10 =	vsub.f32 v27, v0  }
0x114: {  	v46 =	vsub.f32 v56, v21;
	(erf) = vpow2.f32 v2;
	[tilespmem:s22+$0x25A0] =	vst v47;
	v2 =	vsub.f32 v13, v0  }
0x115: {  	v61 =	vmul.f32 $1.442695020e+00, v38;
	v1 =	vadd.f32 $2.000000030e-01, v12;
	[tilespmem:s22+$0x6A0] =	vst v10;
	v10 =	vsub.f32 v26, v11  }
0x116: {  	v12 =	vsub.f32 v58, v21;
	[tilespmem:s22+$0x720] =	vst v2;
	v2 =	vsub.f32 v28, v11  }
0x117: {  	v59 =	vmul.f32 $1.442695020e+00, v46;
	(erf) = vpow2.f32 v61;
	[tilespmem:s22+$0x24A0] =	vst v10;
	v10 =	vsub.f32 v24, v11  }
0x118: {  	v12 =	vmul.f32 $1.442695020e+00, v12;
	v1 =	vmul.f32 v1, v7;
	v48 =	vsub.f32 v27, v11;
	[tilespmem:s22+$0x2520] =	vst v2  }
0x119: {  	(erf) = vpow2.f32 v59;
	v2 =	vmul.f32 v8, v9;
	v8 =	vsub.f32 v13, v11;
	[tilespmem:s22+$0x2620] =	vst v10  }
0x11a: {  	(erf) = vpow2.f32 v12;
	v1 =	vadd.f32 $3.333333430e-01, v1;
	v12 =	vld [tilespmem:$0x1FFD0];
	[tilespmem:s22+$0x26A0] =	vst v48  }
0x11b: {  	v13 =	vld [tilespmem:$0x1FFE0];
	[tilespmem:s22+$0x2720] =	vst v8  }
0x11c: {  	v1 =	vmul.f32 v1, v7;
	v7 =	vld [tilespmem:$0x1FFF0];
	_ =	sdelay $0x2  }
0x11d: {  	v9 =	vsub.f32 v50, v11;
	v50 =	vmul.f32 v2, v2;
	v10 =	vsub.f32 v12, v11  }
0x11e: {  	v5 =	vadd.f32 v5, v5;
	v1 =	vadd.f32 $1.000000000e+00, v1;
	v8 =	vpop (erf)  }
0x11f: {  	v6 =	vadd.f32 v6, v8;
	v8 =	vmul.f32 $1.111111120e-01, v50;
	v7 =	vshrl.u32 v7, $0x17  }
0x120: {  	[tilespmem:s22+$0x34A0] =	vst v9;
	v12 =	vsub.f32 v12, v0;
	v11 =	vsub.f32 v13, v11;
	v7 =	vadd.s32 $0xFFFFFF81, v7  }
0x121: {  	v8 =	vadd.f32 $1.428571490e-01, v8;
	v0 =	vsub.f32 v13, v0;
	[tilespmem:s22+$0x27A0] =	vst v10;
	v7 =	vcvt.s32.f32 v7;
	v10 =	vpop (erf)  }
0x122: {  	v1 =	vmul.f32 v1, v5;
	[tilespmem:s22+$0x3420] =	vst v11;
	v11 =	vsub.f32 v44, v60;
	v6 =	vadd.f32 v6, v10  }
0x123: {  	[tilespmem:s22+$0x7A0] =	vst v12;
	v9 =	vpop (erf);
	v10 =	vsub.f32 v45, v60;
	v5 =	vmul.f32 $6.931471820e-01, v7;
	v7 =	vsub.f32 v25, v3  }
0x124: {  	[tilespmem:s22+$0x1420] =	vst v0;
	s22 =	sor.u32 s28, s19;
	v0 =	vadd.f32 v6, v9;
	v6 =	vmul.f32 v8, v50;
	v8 =	vsub.f32 v22, v3  }
0x125: {  	[tilespmem:s22+$0x2420] =	vst v7;
	v1 =	vadd.f32 v1, v5;
	v5 =	vsub.f32 v23, v3  }
0x126: {  	v7 =	vsub.f32 v52, v3;
	[tilespmem:s22+$0x24A0] =	vst v8;
	v6 =	vadd.f32 $2.000000030e-01, v6  }
0x127: {  	v9 =	vsub.f32 v39, v60;
	[tilespmem:s22+$0x2520] =	vst v5;
	v5 =	vsub.f32 v53, v3  }
0x128: {  	[tilespmem:s22+$0x25A0] =	vst v7;
	v61 =	vadd.f32 v1, v62;
	v8 =	vpop (erf);
	v1 =	vmul.f32 v6, v50;
	v6 =	vsub.f32 v54, v3  }
0x129: {  	v0 =	vadd.f32 v0, v8;
	[tilespmem:s22+$0x2620] =	vst v5;
	v8 =	vsub.f32 v58, v3  }
0x12a: {  	v7 =	vpop (erf);
	v12 =	vsub.f32 v33, v61;
	[tilespmem:s22+$0x26A0] =	vst v6;
	v1 =	vadd.f32 $3.333333430e-01, v1  }
0x12b: {  	v6 =	vsub.f32 v57, v3;
	v5 =	vadd.f32 v0, v7;
	[tilespmem:s22+$0x34A0] =	vst v8  }
0x12c: {  	v0 =	vsub.f32 v55, v3;
	v7 =	vsub.f32 v56, v3;
	[tilespmem:s21+$0x4A0] =	vst v12  }
0x12d: {  	v3 =	vsub.f32 v34, v61;
	v12 =	vsub.f32 v41, v60;
	[tilespmem:s22+$0x27A0] =	vst v6  }
0x12e: {  	v4 =	vshrl.u32 v4, $0x17;
	v8 =	vsub.f32 v43, v60;
	v6 =	vsub.f32 v32, v61;
	[tilespmem:s22+$0x2720] =	vst v0  }
0x12f: {  	v0 =	vmul.f32 v1, v50;
	[tilespmem:s22+$0x3420] =	vst v7;
	v1 =	vshrl.u32 v5, $0x17;
	v5 =	vand.u32 $0x7FFFFF, v5  }
0x130: {  	s25 =	simm.s32 $0x40;
	s23 =	simm.s32 $0x2;
	s24 =	simm.s32 $0x200;
	v7 =	vsub.f32 v40, v60;
	[tilespmem:s21+$0x420] =	vst v6;
	v5 =	vor.u32 $0x3F800000, v5;
	v6 =	vsub.f32 v42, v60  }
.LBB2_2:
0x131: {  	v34 =	vld [tilespmem:$0x1FE20]  }
0x132: {  	[tilespmem:$0x1FC80] =	vst v20;
	v33 =	vld [tilespmem:$0x1FE00]  }
0x133: {  	[tilespmem:$0x1FCB0] =	vst v25;
	v59 =	vsub.f32 v31, v61;
	v31 =	vld [tilespmem:$0x1FDC0]  }
0x134: {  	[tilespmem:$0x1FCC0] =	vst v22;
	v48 =	vld [tilespmem:$0x1FDE0]  }
0x135: {  	[tilespmem:$0x1FCA0] =	vst v21;
	v26 =	vld [tilespmem:$0x1FD80]  }
0x136: {  	[tilespmem:$0x1FCE0] =	vst v23;
	s0 =	sand.u32 $0x60, s25;
	s30 =	sand.u32 $0x7FFFFC00, s24;
	v63 =	vadd.f32 $-1.000000000e+00, v5;
	v5 =	vadd.f32 $1.000000000e+00, v5;
	v27 =	vld [tilespmem:$0x1FD90]  }
0x137: {  	v13 =	vadd.f32 v2, v2;
	v21 =	vsub.f32 v30, v61;
	v2 =	vmov v54;
	v23 =	vld [tilespmem:$0x1FD60];
	[tilespmem:s21+$0x520] =	vst v3;
	s1 =	sshrl.u32 s30, $0x2;
	s29 =	sor.u32 $0x10, s0  }
0x138: {  	v4 =	vadd.s32 $0xFFFFFF81, v4;
	v1 =	vadd.s32 $0xFFFFFF81, v1;
	v28 =	vld [tilespmem:$0x1FDA0];
	s28 =	sor.u32 s0, s30;
	[tilespmem:$0x1FCD0] =	vst v2;
	s0 =	sor.u32 s0, s1;
	s1 =	sor.u32 s29, s1  }
0x139: {  	v0 =	vadd.f32 $1.000000000e+00, v0;
	v3 =	vcvt.s32.f32 v4;
	(erf) = vrcp.f32 v5;
	[tilespmem:s21+$0x5A0] =	vst v21;
	v5 =	vld [tilespmem:s1+$0x0]  }
0x13a: {  	v38 =	vmov v53;
	s26 =	sor.u32 s19, s20;
	v1 =	vcvt.s32.f32 v1;
	v2 =	vld [tilespmem:s0+$0x0];
	[tilespmem:s21+$0x620] =	vst v59  }
0x13b: {  	v53 =	vsub.f32 v18, v61;
	v35 =	vmul.f32 v0, v13;
	v3 =	vmul.f32 $6.931471820e-01, v3;
	v0 =	vld [tilespmem:s1+$0x80];
	v4 =	vmovc v57;
	[tilespmem:s26+$0x2420] =	vst v10  }
0x13c: {  	v21 =	vld [tilespmem:$0x1FD50];
	v1 =	vmul.f32 $6.931471820e-01, v1;
	v46 =	vsub.f32 v14, v61;
	[tilespmem:$0x1FD00] =	vst v4  }
0x13d: {  	v62 =	vsub.f32 v17, v61;
	v4 =	vld [tilespmem:s0+$0x80];
	[tilespmem:s21+$0x14A0] =	vst v53;
	v3 =	vadd.f32 v35, v3  }
0x13e: {  	v47 =	vsub.f32 v15, v61;
	v13 =	vmov v56;
	[tilespmem:$0x1FC90] =	vst v1;
	v1 =	vsub.f32 v16, v61;
	v35 =	vld [tilespmem:$0x1FE70]  }
0x13f: {  	v37 =	vmov v52;
	[tilespmem:$0x1FCF0] =	vst v13;
	v61 =	vadd.f32 v3, v51;
	v51 =	vsub.f32 v20, v60;
	v20 =	vld [tilespmem:$0x1FD40]  }
0x140: {  	v54 =	vsub.f32 v49, v60;
	v17 =	vld [tilespmem:$0x1FD20];
	[tilespmem:s21+$0x720] =	vst v62;
	v3 =	vsub.f32 v19, v60;
	v13 =	vmul.f32 v5, v5  }
0x141: {  	v29 =	vld [tilespmem:$0x1FDB0];
	[tilespmem:s21+$0x1420] =	vst v1;
	v1 =	vmul.f32 v5, v34;
	v53 =	vmul.f32 v5, v33;
	v62 =	vsub.f32 v49, v61  }
0x142: {  	v18 =	vld [tilespmem:$0x1FD30];
	[tilespmem:s26+$0x25A0] =	vst v6;
	v60 =	vmul.f32 v5, v48;
	v15 =	vmul.f32 v0, v21;
	v45 =	vsub.f32 v45, v61  }
0x143: {  	v24 =	vld [tilespmem:$0x1FD70];
	v44 =	vsub.f32 v44, v61;
	v49 =	vmul.f32 v5, v31;
	v52 =	vmul.f32 v5, v35;
	[tilespmem:s26+$0x14A0] =	vst v62  }
0x144: {  	v22 =	vld [tilespmem:$0x1FE50];
	v14 =	vmov v55;
	[tilespmem:s26+$0x420] =	vst v45;
	v45 =	vmul.f32 v5, v26;
	v50 =	vmul.f32 v5, v20  }
0x145: {  	v25 =	vld [tilespmem:$0x1FE60];
	v32 =	vsub.f32 v40, v61;
	[tilespmem:s26+$0x4A0] =	vst v44;
	v44 =	vmul.f32 v5, v17;
	v62 =	vmul.f32 v5, v23  }
0x146: {  	v30 =	vld [tilespmem:$0x1FEA0];
	[tilespmem:$0x1FD10] =	vst v14;
	v5 =	vmul.f32 v5, v28;
	v15 =	vadd.f32 v15, v50;
	v50 =	vmul.f32 v0, v29  }
0x147: {  	[tilespmem:s21+$0x7A0] =	vst v47;
	v47 =	vld [tilespmem:$0x1FE10]  }
0x148: {  	[tilespmem:s26+$0x620] =	vst v32;
	v32 =	vsub.f32 v43, v61;
	v5 =	vadd.f32 v50, v5;
	v50 =	vld [tilespmem:$0x1FDF0]  }
0x149: {  	[tilespmem:s21+$0x6A0] =	vst v46;
	v46 =	vld [tilespmem:$0x1FE30];
	v16 =	vmul.f32 v0, v24  }
0x14a: {  	v59 =	vmov v58;
	[tilespmem:s26+$0x720] =	vst v32;
	v32 =	vld [tilespmem:$0x1FDD0]  }
0x14b: {  	v14 =	vmul.f32 v0, v18;
	v39 =	vsub.f32 v39, v61;
	v16 =	vadd.f32 v16, v62;
	v62 =	vmovc v19;
	v19 =	vld [tilespmem:$0x1FE40]  }
0x14c: {  	v36 =	vld [tilespmem:$0x1FE80];
	v42 =	vsub.f32 v42, v61;
	[tilespmem:$0x1FC70] =	vst v13;
	v13 =	vmul.f32 v0, v27;
	v58 =	vmul.f32 v0, v47  }
0x14d: {  	[tilespmem:s26+$0x520] =	vst v39;
	v14 =	vadd.f32 v14, v44;
	v39 =	vadd.f32 v16, v25;
	v16 =	vld [tilespmem:$0x1FE90];
	v10 =	vmul.f32 v0, v50  }
0x14e: {  	[tilespmem:s26+$0x27A0] =	vst v3;
	v3 =	vmul.f32 v4, v18;
	v18 =	vld [tilespmem:$0x1FEF0];
	v13 =	vadd.f32 v13, v45;
	v6 =	vadd.f32 v58, v53  }
0x14f: {  	v57 =	vmul.f32 v0, v46;
	v40 =	vadd.f32 v5, v30;
	v5 =	vadd.f32 v10, v60;
	v60 =	vld [tilespmem:$0x1FEB0]  }
0x150: {  	[tilespmem:s26+$0x24A0] =	vst v11;
	v58 =	vld [tilespmem:$0x1FEC0];
	v44 =	vadd.f32 v15, v22;
	v45 =	vadd.f32 v14, v19;
	v14 =	vmul.f32 v0, v32  }
0x151: {  	[tilespmem:s26+$0x2720] =	vst v8;
	v41 =	vsub.f32 v41, v61;
	v8 =	vmul.f32 v2, v17;
	v1 =	vadd.f32 v57, v1;
	v57 =	vld [tilespmem:$0x1FED0]  }
0x152: {  	[tilespmem:s26+$0x5A0] =	vst v42;
	v17 =	vld [tilespmem:$0x1FEE0];
	v42 =	vadd.f32 v13, v16;
	v11 =	vadd.f32 v14, v49;
	v13 =	vmax.f32 v45, v44  }
0x153: {  	[tilespmem:s26+$0x2520] =	vst v9;
	v55 =	vmul.f32 v0, v36;
	v9 =	vmax.f32 v13, v39  }
0x154: {  	[tilespmem:s26+$0x6A0] =	vst v41;
	v9 =	vmax.f32 v9, v42;
	v41 =	vadd.f32 v11, v60  }
0x155: {  	v43 =	vadd.f32 v5, v58;
	v5 =	vmax.f32 v9, v40;
	v9 =	vadd.f32 v55, v52  }
0x156: {  	v6 =	vadd.f32 v6, v57;
	v5 =	vmax.f32 v5, v41  }
0x157: {  	[tilespmem:s26+$0x2620] =	vst v7;
	v7 =	vadd.f32 v1, v17;
	v49 =	vadd.f32 v9, v18;
	v1 =	vmax.f32 v5, v43  }
0x158: {  	v9 =	vmul.f32 v4, v21;
	v5 =	vmul.f32 v2, v20;
	v1 =	vmax.f32 v1, v6  }
0x159: {  	v1 =	vmax.f32 v1, v7  }
0x15a: {  	[tilespmem:s26+$0x3420] =	vst v51;
	v14 =	vmul.f32 v4, v29;
	v5 =	vadd.f32 v9, v5;
	v51 =	vmax.f32 v1, v49  }
0x15b: {  	v10 =	vmul.f32 v2, v23;
	v1 =	vadd.f32 v3, v8;
	v3 =	vsub.f32 v45, v51  }
0x15c: {  	[tilespmem:s26+$0x26A0] =	vst v12;
	v9 =	vmul.f32 v4, v27;
	v8 =	vmul.f32 v2, v26;
	v12 =	vsub.f32 v44, v51  }
0x15d: {  	v11 =	vmul.f32 v4, v24;
	v13 =	vmul.f32 $1.442695020e+00, v3  }
0x15e: {  	v15 =	vsub.f32 v39, v51;
	v8 =	vadd.f32 v9, v8;
	v12 =	vmul.f32 $1.442695020e+00, v12  }
0x15f: {  	v56 =	vpop (erf);
	v3 =	vadd.f32 v1, v19;
	v1 =	vadd.f32 v5, v22;
	(erf) = vpow2.f32 v13  }
0x160: {  	v5 =	vmul.f32 $1.442695020e+00, v15;
	v13 =	vsub.f32 v42, v51;
	(erf) = vpow2.f32 v12  }
0x161: {  	v10 =	vadd.f32 v11, v10;
	v11 =	vmul.f32 v2, v28;
	v15 =	vsub.f32 v40, v51  }
0x162: {  	v52 =	vadd.f32 v8, v16;
	v13 =	vmul.f32 $1.442695020e+00, v13;
	(erf) = vpow2.f32 v5  }
0x163: {  	v9 =	vmul.f32 v2, v31;
	v5 =	vadd.f32 v10, v25;
	v10 =	vadd.f32 v14, v11  }
0x164: {  	v14 =	vmul.f32 $1.442695020e+00, v15;
	v15 =	vsub.f32 v41, v51;
	(erf) = vpow2.f32 v13  }
0x165: {  	v8 =	vmul.f32 v4, v50;
	v16 =	vsub.f32 v43, v51;
	v12 =	vmul.f32 v4, v32  }
0x166: {  	v50 =	vsub.f32 v6, v51;
	v19 =	vmul.f32 $1.442695020e+00, v15;
	(erf) = vpow2.f32 v14  }
0x167: {  	v16 =	vmul.f32 $1.442695020e+00, v16;
	v11 =	vmul.f32 v2, v48;
	v9 =	vadd.f32 v12, v9  }
0x168: {  	v12 =	vmul.f32 v2, v33;
	v13 =	vmax.f32 v3, v1;
	v33 =	vpop (erf);
	(erf) = vpow2.f32 v19  }
0x169: {  	v53 =	vadd.f32 v10, v30;
	v10 =	vmax.f32 v13, v5;
	v13 =	vsub.f32 v7, v51;
	v15 =	vpop (erf)  }
0x16a: {  	[tilespmem:s26+$0x34A0] =	vst v54;
	v54 =	vmul.f32 $1.442695020e+00, v50;
	(erf) = vpow2.f32 v16;
	v15 =	vadd.f32 v15, v33  }
0x16b: {  	v8 =	vadd.f32 v8, v11;
	v11 =	vmul.f32 v2, v34;
	v13 =	vmul.f32 $1.442695020e+00, v13;
	v34 =	vpop (erf)  }
0x16c: {  	v30 =	vmovc v37;
	v16 =	vsub.f32 v49, v51;
	(erf) = vpow2.f32 v54;
	v15 =	vadd.f32 v15, v34  }
0x16d: {  	v14 =	vmul.f32 v4, v47;
	v10 =	vmax.f32 v10, v52;
	v55 =	vadd.f32 v8, v58;
	v37 =	vpop (erf)  }
0x16e: {  	v31 =	vmovc v38;
	v16 =	vmul.f32 $1.442695020e+00, v16;
	(erf) = vpow2.f32 v13;
	v15 =	vadd.f32 v15, v37  }
0x16f: {  	v12 =	vadd.f32 v14, v12;
	v54 =	vadd.f32 v9, v60;
	v9 =	vmul.f32 v4, v46;
	v38 =	vpop (erf)  }
0x170: {  	v14 =	vmul.f32 v4, v36;
	(erf) = vpow2.f32 v16;
	v15 =	vadd.f32 v15, v38  }
0x171: {  	v19 =	vmax.f32 v10, v53;
	v13 =	vmul.f32 v2, v35;
	v8 =	vadd.f32 v9, v11;
	v10 =	vpop (erf)  }
0x172: {  	v57 =	vadd.f32 v12, v57;
	v9 =	vmax.f32 v19, v54;
	v10 =	vadd.f32 v15, v10  }
0x173: {  	v11 =	vmul.f32 v56, v63;
	v56 =	vadd.f32 v8, v17;
	v8 =	vadd.f32 v14, v13;
	v12 =	vpop (erf)  }
0x174: {  	v9 =	vmax.f32 v9, v55;
	v10 =	vadd.f32 v10, v12  }
0x175: {  	v9 =	vmax.f32 v9, v57;
	v58 =	vadd.f32 v8, v18;
	v13 =	vpop (erf)  }
0x176: {  	v9 =	vmax.f32 v9, v56;
	v10 =	vadd.f32 v10, v13  }
0x177: {  	v13 =	vmul.f32 v4, v4;
	v4 =	vmax.f32 v9, v58;
	v9 =	vmul.f32 v0, v0;
	v0 =	vpop (erf)  }
0x178: {  	v14 =	vsub.f32 v3, v4;
	v0 =	vadd.f32 v10, v0  }
0x179: {  	v15 =	vsub.f32 v5, v4;
	v16 =	vpop (erf);
	v10 =	vsub.f32 v1, v4  }
0x17a: {  	v46 =	vsub.f32 v52, v4;
	v14 =	vmul.f32 $1.442695020e+00, v14;
	v0 =	vadd.f32 v0, v16  }
0x17b: {  	v15 =	vmul.f32 $1.442695020e+00, v15;
	v10 =	vmul.f32 $1.442695020e+00, v10;
	v16 =	vsub.f32 v53, v4  }
0x17c: {  	v60 =	vmul.f32 $1.442695020e+00, v46;
	(erf) = vpow2.f32 v14;
	v47 =	vand.u32 $0x7FFFFF, v0  }
0x17d: {  	v14 =	vmul.f32 $1.442695020e+00, v16;
	(erf) = vpow2.f32 v10;
	v16 =	vor.u32 $0x3F800000, v47  }
0x17e: {  	v10 =	vsub.f32 v54, v4;
	(erf) = vpow2.f32 v15;
	v63 =	vadd.f32 $1.000000000e+00, v16  }
0x17f: {  	v15 =	vsub.f32 v55, v4;
	(erf) = vpow2.f32 v60  }
0x180: {  	v10 =	vmul.f32 $1.442695020e+00, v10;
	(erf) = vrcp.f32 v63  }
0x181: {  	v15 =	vmul.f32 $1.442695020e+00, v15;
	(erf) = vpow2.f32 v14  }
0x182: {  	v12 =	vmul.f32 v11, v11;
	(erf) = vpow2.f32 v10  }
0x183: {  	v2 =	vmul.f32 v2, v2;
	v17 =	vsub.f32 v57, v4;
	(erf) = vpow2.f32 v15;
	v15 =	vld [tilespmem:$0x1FC70]  }
0x184: {  	v8 =	vadd.f32 v11, v11;
	v11 =	vmul.f32 $1.111111120e-01, v12;
	v48 =	vsub.f32 v56, v4  }
0x185: {  	v50 =	vsub.f32 v58, v4;
	v14 =	vmul.f32 $1.442695020e+00, v17  }
0x186: {  	v10 =	vadd.f32 $1.428571490e-01, v11;
	v11 =	vadd.f32 v13, v2;
	v2 =	vmul.f32 $1.442695020e+00, v48  }
0x187: {  	v13 =	vmul.f32 $1.442695020e+00, v50;
	(erf) = vpow2.f32 v14  }
0x188: {  	v60 =	vadd.f32 v9, v15;
	v9 =	vpop (erf);
	(erf) = vpow2.f32 v2  }
0x189: {  	v15 =	vpop (erf);
	(erf) = vpow2.f32 v13;
	v13 =	vld [tilespmem:$0x1FC80]  }
0x18a: {  	v19 =	vmov v6;
	v21 =	vadd.f32 $-1.000000000e+00, v16;
	v9 =	vadd.f32 v15, v9  }
0x18b: {  	v6 =	vsub.f32 v1, v11;
	v2 =	vmul.f32 v10, v12;
	v10 =	vsub.f32 v62, v61;
	v15 =	vpop (erf)  }
0x18c: {  	s21 =	smov.u32 s22;
	s22 =	smov.u32 s28;
	v20 =	vmov v7;
	v14 =	vsub.f32 v3, v11;
	v7 =	vadd.f32 v9, v15  }
0x18d: {  	[tilespmem:s22+$0x24A0] =	vst v6;
	v6 =	vsub.f32 v52, v11;
	v2 =	vadd.f32 $2.000000030e-01, v2;
	v16 =	vpop (erf)  }
0x18e: {  	[tilespmem:s22+$0x2420] =	vst v14;
	v17 =	vsub.f32 v13, v61;
	v13 =	vpop (erf);
	v7 =	vadd.f32 v7, v16  }
0x18f: {  	[tilespmem:s26+$0x7A0] =	vst v10;
	v10 =	vpop (erf)  }
0x190: {  	[tilespmem:s22+$0x25A0] =	vst v6;
	v6 =	vsub.f32 v54, v11;
	v14 =	vmul.f32 v2, v12;
	v7 =	vadd.f32 v7, v10  }
0x191: {  	v15 =	vsub.f32 v5, v11;
	v2 =	vmul.f32 v13, v21;
	v9 =	vpop (erf)  }
0x192: {  	[tilespmem:s22+$0x26A0] =	vst v6;
	v13 =	vadd.f32 $3.333333430e-01, v14;
	v7 =	vadd.f32 v7, v9  }
0x193: {  	v22 =	vsub.f32 v53, v11;
	v6 =	vsub.f32 v56, v11;
	[tilespmem:s26+$0x1420] =	vst v17;
	v16 =	vmul.f32 v2, v2;
	v17 =	vpop (erf)  }
0x194: {  	v12 =	vmul.f32 v13, v12;
	v13 =	vsub.f32 v58, v11;
	v7 =	vadd.f32 v7, v17  }
0x195: {  	[tilespmem:s22+$0x2520] =	vst v15;
	v21 =	vsub.f32 v55, v11;
	v10 =	vsub.f32 v57, v11;
	v15 =	vpop (erf);
	v11 =	vmul.f32 $1.111111120e-01, v16  }
0x196: {  	[tilespmem:s22+$0x34A0] =	vst v13;
	v13 =	vadd.f32 v7, v15;
	v7 =	vld [tilespmem:$0x1FC90]  }
0x197: {  	v9 =	vadd.f32 $1.000000000e+00, v12;
	v12 =	vadd.f32 $1.428571490e-01, v11  }
0x198: {  	v15 =	vld [tilespmem:$0x1FCA0]  }
0x199: {  	v18 =	vmov v59;
	v59 =	vpop (erf);
	v8 =	vmul.f32 v9, v8;
	v12 =	vmul.f32 v12, v16  }
0x19a: {  	v25 =	vmov v3;
	v3 =	vld [tilespmem:$0x1FCC0];
	v13 =	vadd.f32 v13, v59  }
0x19b: {  	v14 =	vpop (erf);
	v12 =	vadd.f32 $2.000000030e-01, v12;
	v8 =	vadd.f32 v8, v7  }
0x19c: {  	v13 =	vadd.f32 v13, v14;
	v14 =	vld [tilespmem:$0x1FCB0]  }
0x19d: {  	s23 =	sadd.s32 $0x2, s23;
	[tilespmem:s22+$0x2720] =	vst v21;
	v21 =	vmov v4;
	v4 =	vmul.f32 v12, v16;
	v61 =	vadd.f32 v8, v15  }
0x19e: {  	p0 =	slt.u32 s23, $0x1E  }
0x19f: {  	[tilespmem:s22+$0x3420] =	vst v6;
	v15 =	vadd.f32 $3.333333430e-01, v4;
	v4 =	vand.u32 $0x7FFFFF, v13;
	v17 =	vsub.f32 v3, v61;
	v3 =	vld [tilespmem:$0x1FCE0]  }
.Ltmp0:
0x1a0: {  	v23 =	vmovc v5;
	v6 =	vsub.f32 v42, v60;
	[tilespmem:s22+$0x27A0] =	vst v10;
	v10 =	vsub.f32 v45, v60;
	v5 =	vor.u32 $0x3F800000, v4;
	(pc) =	sbr.rel @p0 .LBB2_2-.Ltmp0, $4  }
0x1a1: {  	v4 =	vshrl.u32 v0, $0x17;
	v14 =	vsub.f32 v14, v61;
	v0 =	vmul.f32 v15, v16;
	v16 =	vld [tilespmem:$0x1FCF0]  }
0x1a2: {  	[tilespmem:s22+$0x2620] =	vst v22;
	v11 =	vsub.f32 v44, v60;
	v9 =	vsub.f32 v39, v60;
	v15 =	vld [tilespmem:$0x1FD00]  }
0x1a3: {  	s24 =	sadd.s32 $0x100, s24;
	v7 =	vsub.f32 v40, v60;
	v12 =	vsub.f32 v41, v60;
	[tilespmem:s21+$0x420] =	vst v14;
	v14 =	vld [tilespmem:$0x1FCD0]  }
0x1a4: {  	s25 =	sadd.s32 $0x20, s25;
	s19 =	smov.u32 s30;
	s20 =	smov.u32 s29;
	v22 =	vmovc v1;
	v1 =	vshrl.u32 v13, $0x17;
	v8 =	vsub.f32 v43, v60;
	[tilespmem:s21+$0x4A0] =	vst v17;
	v17 =	vld [tilespmem:$0x1FD10];
	v3 =	vsub.f32 v3, v61  }
0x1a5: {  	v13 =	vadd.f32 $1.000000000e+00, v5;
	_ =	sdelay $0x1  }
0x1a6: {  	(erf) = vrcp.f32 v13;
	_ =	sdelay $0x6  }
0x1a7: {  	v0 =	vadd.f32 $1.000000000e+00, v0  }
0x1a8: {  	v2 =	vadd.f32 v2, v2;
	v50 =	vadd.f32 $-1.000000000e+00, v5  }
0x1a9: {  	v62 =	vpop (erf)  }
0x1aa: {  	s0 =	sor.u32 s19, s20;
	[tilespmem:s21+$0x520] =	vst v3;
	v0 =	vmul.f32 v0, v2;
	v2 =	vmul.f32 v62, v50  }
0x1ab: {  	[tilespmem:s0+$0x2420] =	vst v10  }
0x1ac: {  	[tilespmem:s0+$0x24A0] =	vst v11;
	v28 =	vmul.f32 v2, v2  }
0x1ad: {  	[tilespmem:s0+$0x2520] =	vst v9  }
0x1ae: {  	v24 =	vsub.f32 v31, v61;
	[tilespmem:s0+$0x25A0] =	vst v6;
	v31 =	vmul.f32 $1.111111120e-01, v28  }
0x1af: {  	[tilespmem:s0+$0x2620] =	vst v7  }
0x1b0: {  	v4 =	vadd.s32 $0xFFFFFF81, v4;
	v59 =	vsub.f32 v30, v61;
	[tilespmem:s0+$0x26A0] =	vst v12;
	v34 =	vadd.f32 $1.428571490e-01, v31  }
0x1b1: {  	v4 =	vcvt.s32.f32 v4;
	[tilespmem:s0+$0x2720] =	vst v8  }
0x1b2: {  	v32 =	vsub.f32 v18, v61;
	[tilespmem:s21+$0x5A0] =	vst v59;
	v37 =	vmul.f32 v34, v28  }
0x1b3: {  	v46 =	vsub.f32 v20, v60;
	[tilespmem:s21+$0x620] =	vst v24;
	v63 =	vmul.f32 $6.931471820e-01, v4  }
0x1b4: {  	v47 =	vsub.f32 v49, v60;
	[tilespmem:s21+$0x14A0] =	vst v32;
	v4 =	vadd.f32 $2.000000030e-01, v37  }
0x1b5: {  	v30 =	vsub.f32 v16, v61;
	[tilespmem:s0+$0x3420] =	vst v46;
	v0 =	vadd.f32 v0, v63  }
0x1b6: {  	v29 =	vsub.f32 v15, v61;
	[tilespmem:s0+$0x34A0] =	vst v47;
	v4 =	vmul.f32 v4, v28  }
0x1b7: {  	v26 =	vsub.f32 v14, v61;
	[tilespmem:s21+$0x1420] =	vst v30;
	v0 =	vadd.f32 v0, v51  }
0x1b8: {  	v27 =	vsub.f32 v17, v61;
	[tilespmem:s21+$0x7A0] =	vst v29;
	v4 =	vadd.f32 $3.333333430e-01, v4  }
0x1b9: {  	[tilespmem:s21+$0x6A0] =	vst v26;
	v33 =	vsub.f32 v49, v0  }
0x1ba: {  	[tilespmem:s21+$0x720] =	vst v27;
	v35 =	vsub.f32 v45, v0;
	v3 =	vmul.f32 v4, v28  }
0x1bb: {  	v1 =	vadd.s32 $0xFFFFFF81, v1;
	v36 =	vsub.f32 v44, v0;
	v38 =	vsub.f32 v39, v0;
	[tilespmem:s0+$0x14A0] =	vst v33  }
0x1bc: {  	v1 =	vcvt.s32.f32 v1;
	[tilespmem:s0+$0x420] =	vst v35;
	v2 =	vadd.f32 v2, v2;
	v3 =	vadd.f32 $1.000000000e+00, v3  }
0x1bd: {  	v39 =	vsub.f32 v42, v0;
	[tilespmem:s0+$0x4A0] =	vst v36  }
0x1be: {  	v1 =	vmul.f32 $6.931471820e-01, v1;
	v40 =	vsub.f32 v40, v0;
	[tilespmem:s0+$0x520] =	vst v38;
	v2 =	vmul.f32 v3, v2  }
0x1bf: {  	v42 =	vsub.f32 v41, v0;
	[tilespmem:s0+$0x5A0] =	vst v39  }
0x1c0: {  	v44 =	vsub.f32 v43, v0;
	[tilespmem:s0+$0x620] =	vst v40;
	v1 =	vadd.f32 v2, v1  }
0x1c1: {  	v45 =	vsub.f32 v19, v60;
	[tilespmem:s0+$0x6A0] =	vst v42  }
0x1c2: {  	v48 =	vsub.f32 v19, v0;
	[tilespmem:s0+$0x720] =	vst v44;
	v1 =	vadd.f32 v1, v21  }
0x1c3: {  	v0 =	vsub.f32 v20, v0;
	[tilespmem:s0+$0x27A0] =	vst v45  }
0x1c4: {  	[tilespmem:s0+$0x7A0] =	vst v48;
	v49 =	vsub.f32 v25, v1  }
0x1c5: {  	[tilespmem:s0+$0x1420] =	vst v0;
	v50 =	vsub.f32 v22, v1  }
0x1c6: {  	v51 =	vsub.f32 v23, v1;
	[tilespmem:s22+$0x420] =	vst v49  }
0x1c7: {  	v52 =	vsub.f32 v52, v1;
	[tilespmem:s22+$0x4A0] =	vst v50  }
0x1c8: {  	v59 =	vsub.f32 v53, v1;
	[tilespmem:s22+$0x520] =	vst v51  }
0x1c9: {  	v60 =	vsub.f32 v54, v1;
	[tilespmem:s22+$0x5A0] =	vst v52  }
0x1ca: {  	v61 =	vsub.f32 v55, v1;
	[tilespmem:s22+$0x620] =	vst v59  }
0x1cb: {  	v62 =	vsub.f32 v57, v1;
	[tilespmem:s22+$0x6A0] =	vst v60  }
0x1cc: {  	v63 =	vsub.f32 v56, v1;
	[tilespmem:s22+$0x720] =	vst v61  }
0x1cd: {  	v1 =	vsub.f32 v58, v1;
	[tilespmem:s22+$0x7A0] =	vst v62  }
0x1ce: {  	[tilespmem:s22+$0x1420] =	vst v63  }
0x1cf: {  	[tilespmem:s22+$0x14A0] =	vst v1  }
0x1d0: {  	s1 =	simm.s32 $0x0;
	s2 =	simm.s32 $0x420;
	s0 =	rddreg [dreg:$0x8]  }
0x1d1: {  	[hbm4b:s0+s1] =	stream.linear.scatter [tilespmem:s2], [sflag:$0x1], $0x1000, $0x38;
	[tilespmem:$0x4420] =	vst v63  }
0x1d2: {  	s2 =	simm.s32 $0x1  }
0x1d3: {  	_ =	swait.ge [sflag:s2], $0x1000  }
0x1d4: {  	[sflag:s2] =	ssyncset.done $0x0  }
0x1d5: {  	s3 =	simm.s32 $0x1420;
	s24 =	rddreg [dreg:$0x9];
	[sflag:s2] =	ssyncadd.s32 $0xFFFFF000  }
0x1d6: {  	[hbm4b:s24+s1] =	stream.linear.scatter [tilespmem:s3], [sflag:$0x1], $0x1000, $0x38;
	[tilespmem:$0x4420] =	vst v63  }
0x1d7: {  	_ =	swait.ge [sflag:s2], $0x1000  }
0x1d8: {  	[sflag:s2] =	ssyncset.done $0x0  }
0x1d9: {  	s26 =	simm.s32 $0x2420;
	s25 =	rddreg [dreg:$0xa];
	[sflag:s2] =	ssyncadd.s32 $0xFFFFF000  }
0x1da: {  	[hbm4b:s25+s1] =	stream.linear.scatter [tilespmem:s26], [sflag:$0x1], $0x1000, $0x38;
	[tilespmem:$0x4420] =	vst v63  }
0x1db: {  	_ =	swait.ge [sflag:s2], $0x1000  }
0x1dc: {  	[sflag:s2] =	ssyncset.done $0x0  }
0x1dd: {  	s29 =	simm.s32 $0x3420;
	s28 =	rddreg [dreg:$0xb];
	[sflag:s2] =	ssyncadd.s32 $0xFFFFF000  }
0x1de: {  	[hbm4b:s28+s1] =	stream.linear.scatter [tilespmem:s29], [sflag:$0x1], $0x1000, $0x38;
	[tilespmem:$0x4420] =	vst v63  }
0x1df: {  	_ =	swait.ge [sflag:s2], $0x1000  }
0x1e0: {  	s30 =	rddreg [dreg:$0xd]  }
0x1e1: {  	s31 =	rddreg [dreg:$0xc];
	s3 =	sadd.s32 $0x1, s30  }
0x1e2: {  	p0 =	sne.s32 s3, s31  }
.Ltmp1:
0x1e3: {  	_ = 	snop;
	(pc) =	sbr.rel @p0 .LBB2_1-.Ltmp1, $3  }
0x1e4: {  	_ =	sdelay $0x1  }
0x1e5: {  	[sflag:s2] =	ssyncset.done $0x0  }
0x1e6: {  	[sflag:s2] =	ssyncadd.s32 $0xFFFFF000  }
0x1e7: {  	_ =	sfence.sel $0x180000  }
0x1e8: {  	[bflag:$0x0] =	sbarrier.arrive $0xFFFF  }
0x1e9: {  	_ =	strace $0x90000047  }
0x1ea: {  	s0 =	stileid.u32;
	[bflag:$0x2] =	sbarrier.arrive $0xFFFF  }
0x1eb: {  	p0 =	sne.s32 s0, $0x0;
	s0 =	rddreg [dreg:$0x4]  }
0x1ec: {  	s0 =	sadd.s32 @!p0 $0x100000, s0  }
0x1ed: {  	[sflag:s0] =	ssyncadd.tile.s32 @!p0 $0x1;
	_ =	shalt  }
.Lfunc_end2:
_tile_overlayer_lowered:
.L_overlay_start_2:
0x1ee: {  	(tag) =	ssettag $0x2  }
0x1ef: {  	s0 =	rddreg [dreg:$0x0];
	s2 =	stileid.u32  }
0x1f0: {  	s1 =	rddreg [dreg:$0x1];
	p0 =	sne.s32 s2, $0x0  }
0x1f1: {  	s3 =	rddreg [dreg:$0x2];
	[bflag:$0x3] =	sbarrier.arrive $0xFFFF;
	s2 =	simm.s32 @!p0 $0x1C01  }
0x1f2: {  	[timem:s3], [sflag:s2] =	dma.local @!p0 [hbm:s0], s1  }
0x1f3: {  	s0 =	simm.s32 @!p0 $0x1  }
0x1f4: {  	_ =	swait.ge @!p0 [sflag:s0], s1  }
0x1f5: {  	s1 =	ssub.s32 @!p0 $0x0, s1;
	[sflag:s0] =	ssyncset.done @!p0 $0x0  }
0x1f6: {  	[sflag:s0] =	ssyncadd.s32 @!p0 s1  }
0x1f7: {  	[bflag:$0x3] =	sbarrier.arrive $0xFFFF  }
0x1f8: {  	_ =	shalt  }

</sc_bundles>
